<compile_context>
chip_gen: v7x
topology: tpu7x:2x2x1
jax: 0.10.2.dev20260603
libtpu: 0.0.44.dev20260713+nightly
codegen_flags: <defaults>
</compile_context>

<pallas_src>
import functools

import jax
import jax.numpy as jnp
from jax import lax
from jax.experimental import pallas as pl
from jax.experimental.pallas import tpu as pltpu
from jax.experimental.pallas import tpu_sc as plsc


def _make_gather(bt, p, d, n_chunks, chunk_p, n_workers):
    mesh = plsc.VectorSubcoreMesh(core_axis_name="c", subcore_axis_name="s")
    nc = 2
    rows_per_chunk = chunk_p * bt
    per_w = n_chunks * chunk_p

    nbuf = 4

    @functools.partial(
        pl.kernel,
        mesh=mesh,
        out_type=jax.ShapeDtypeStruct((p, bt, d), jnp.float32),
        scratch_types=[
            pltpu.VMEM((n_chunks, rows_per_chunk), jnp.int32),
            *[pltpu.VMEM((chunk_p, bt, d), jnp.float32)] * nbuf,
            *[pltpu.SemaphoreType.DMA] * (2 * nbuf),
        ],
    )
    def gather_k(table_hbm, idx_hbm, out_hbm, idx_v, *bufs_sems):
        bufs = bufs_sems[:nbuf]
        gsems = bufs_sems[nbuf:2 * nbuf]
        wsems = bufs_sems[2 * nbuf:]
        wid = lax.axis_index("s") * nc + lax.axis_index("c")
        start = jnp.minimum(wid * per_w, p - per_w)

        pltpu.sync_copy(idx_hbm.at[wid], idx_v)

        def gather(c):
            b = c % nbuf
            return pltpu.async_copy(
                table_hbm.at[idx_v.at[c]],
                bufs[b].reshape(rows_per_chunk, d), gsems[b],
            )

        gathers = [None] * n_chunks
        writes = [None] * n_chunks
        for c in range(min(nbuf - 1, n_chunks)):
            gathers[c] = gather(c)
        for c in range(n_chunks):
            b = c % nbuf
            gathers[c].wait()
            writes[c] = pltpu.async_copy(
                bufs[b], out_hbm.at[pl.ds(start + c * chunk_p, chunk_p)], wsems[b]
            )
            if c + nbuf - 1 < n_chunks:
                if c >= 1:
                    writes[c - 1].wait()
                gathers[c + nbuf - 1] = gather(c + nbuf - 1)
        for c in range(max(n_chunks - nbuf, 0), n_chunks):
            writes[c].wait()

    return gather_k


def kernel(sequence_tensor, positions):
    bt, seq, d = sequence_tensor.shape
    _, p = positions.shape

    n_workers = 32
    n_chunks = 8
    chunk_p = 5
    per_w = n_chunks * chunk_p

    n_full = (p - per_w) // per_w + 1
    idx = positions.astype(jnp.int32) + jnp.arange(bt, dtype=jnp.int32)[:, None] * seq
    idx_t = idx.T.reshape(-1)
    full = idx_t[:n_full * per_w * bt].reshape(n_full, per_w * bt)
    last = jnp.broadcast_to(
        idx_t[(p - per_w) * bt:][None, :], (n_workers - n_full, per_w * bt)
    )
    blocks = jnp.concatenate([full, last]).reshape(
        n_workers, n_chunks, chunk_p * bt
    )

    table = sequence_tensor.reshape(bt * seq, d)
    out_t = _make_gather(bt, p, d, n_chunks, chunk_p, n_workers)(table, blocks)
    return jnp.transpose(out_t, (1, 0, 2))

# --- scband reference (transcript-rebuilt; emitter-appended) ---
"""Pipeline reference for scband-gather-indexes-84009560310384 (READ-ONLY COPY).

The authoritative reference and input builder live on the scoring server;
editing this copy changes nothing except your own understanding.
"""

import jax, jax.numpy as jnp
import numpy as np


def setup_inputs(seed: int = 0) -> dict:
    key = jax.random.key(seed)
    k1, k2 = jax.random.split(key)
    sequence_tensor = jax.random.normal(k1, (4, 8192, 1024), dtype=jnp.float32)
    positions = jax.random.randint(k2, (4, 1228), 0, 8192).astype(jnp.int64)
    return {"sequence_tensor": sequence_tensor, "positions": positions}


def reference(sequence_tensor, positions):
    # tf.gather(sequence_tensor, positions, batch_dims=1)
    # -> out[b, p, :] = sequence_tensor[b, positions[b, p], :]
    out = jnp.take_along_axis(sequence_tensor, positions[..., None], axis=1)
    return out

if __name__ == "__main__":
    import jax
    _d = setup_inputs()
    print(jax.jit(kernel)(*tuple(_d.values())))

</pallas_src>

<mosaic_0001>
#map = affine_map<(d0, d1) -> (0, 0)>
#map1 = affine_map<(d0, d1) -> (0, 0, 0)>
module attributes {stable_mosaic.version = 14 : i64} {
  func.func @gather_k(%arg0: i32, %arg1: i32, %arg2: memref<32768x1024xf32, #tpu.memory_space<hbm>>, %arg3: memref<32x8x20xi32, #tpu.memory_space<hbm>>, %arg4: memref<1228x4x1024xf32, #tpu.memory_space<hbm>>, %arg5: memref<8x20xi32, #tpu.memory_space<vmem>>, %arg6: memref<5x4x1024xf32, #tpu.memory_space<vmem>>, %arg7: memref<5x4x1024xf32, #tpu.memory_space<vmem>>, %arg8: memref<5x4x1024xf32, #tpu.memory_space<vmem>>, %arg9: memref<5x4x1024xf32, #tpu.memory_space<vmem>>, %arg10: memref<!tpu.dma_semaphore, #tpu.memory_space<semaphore_mem>>, %arg11: memref<!tpu.dma_semaphore, #tpu.memory_space<semaphore_mem>>, %arg12: memref<!tpu.dma_semaphore, #tpu.memory_space<semaphore_mem>>, %arg13: memref<!tpu.dma_semaphore, #tpu.memory_space<semaphore_mem>>, %arg14: memref<!tpu.dma_semaphore, #tpu.memory_space<semaphore_mem>>, %arg15: memref<!tpu.dma_semaphore, #tpu.memory_space<semaphore_mem>>, %arg16: memref<!tpu.dma_semaphore, #tpu.memory_space<semaphore_mem>>, %arg17: memref<!tpu.dma_semaphore, #tpu.memory_space<semaphore_mem>>) attributes {dimension_semantics = [#tpu.dimension_semantics<core_parallel>, #tpu.dimension_semantics<subcore_parallel>], iteration_bounds = array<i64: 2, 16>, scalar_prefetch = 0 : i64, scratch_operands = 13 : i64, tpu.core_type = #tpu.core_type<sc_vector_subcore>, window_params = [{transform_indices = #map}, {transform_indices = #map1}, {transform_indices = #map1}]} {
    %mul3A = arith.constant 2 : i32
    %mul3A_0 = arith.muli %arg1, %mul3A : i32
    %add3A = arith.addi %mul3A_0, %arg0 : i32
    %mul3A_1 = arith.constant 40 : i32
    %mul3A_2 = arith.muli %add3A, %mul3A_1 : i32
    %min3A = arith.constant 1188 : i32
    %min3A_3 = arith.minsi %mul3A_2, %min3A : i32
    "tpu.region"() ({
      %run_scoped3A = tpu.sem_alloc : memref<!tpu.dma_semaphore, #tpu.memory_space<semaphore_mem>>
      %dma_start3A_242 = arith.constant 0 : i32
      %dma_start3A_243 = arith.constant 0 : i32
      %dma_start3A_244 = tpu.memref_slice %arg3[%add3A, %dma_start3A_242, %dma_start3A_243] : memref<32x8x20xi32, #tpu.memory_space<hbm>> -> memref<1x8x20xi32, #tpu.memory_space<hbm>>
      %dma_start3A_245 = tpu.memref_squeeze %dma_start3A_244 : memref<1x8x20xi32, #tpu.memory_space<hbm>> -> memref<8x20xi32, #tpu.memory_space<hbm>>
      %dma_start3A_246 = arith.constant 0 : i32
      %dma_start3A_247 = arith.constant 0 : i32
      %dma_start3A_248 = tpu.memref_slice %arg3[%add3A, %dma_start3A_246, %dma_start3A_247] : memref<32x8x20xi32, #tpu.memory_space<hbm>> -> memref<1x8x20xi32, #tpu.memory_space<hbm>>
      %dma_start3A_249 = tpu.memref_squeeze %dma_start3A_248 : memref<1x8x20xi32, #tpu.memory_space<hbm>> -> memref<8x20xi32, #tpu.memory_space<hbm>>
      tpu.enqueue_dma source(%dma_start3A_249 : memref<8x20xi32, #tpu.memory_space<hbm>>) target(%arg5 : memref<8x20xi32, #tpu.memory_space<vmem>>) target_semaphore(%run_scoped3A : memref<!tpu.dma_semaphore, #tpu.memory_space<semaphore_mem>>)
      %dma_wait3A_250 = arith.constant 0 : i32
      %dma_wait3A_251 = arith.constant 0 : i32
      %dma_wait3A_252 = tpu.memref_slice %arg3[%add3A, %dma_wait3A_250, %dma_wait3A_251] : memref<32x8x20xi32, #tpu.memory_space<hbm>> -> memref<1x8x20xi32, #tpu.memory_space<hbm>>
      %dma_wait3A_253 = tpu.memref_squeeze %dma_wait3A_252 : memref<1x8x20xi32, #tpu.memory_space<hbm>> -> memref<8x20xi32, #tpu.memory_space<hbm>>
      %dma_wait3A_254 = arith.constant 0 : i32
      %dma_wait3A_255 = arith.constant 0 : i32
      %dma_wait3A_256 = tpu.memref_slice %arg3[%add3A, %dma_wait3A_254, %dma_wait3A_255] : memref<32x8x20xi32, #tpu.memory_space<hbm>> -> memref<1x8x20xi32, #tpu.memory_space<hbm>>
      %dma_wait3A_257 = tpu.memref_squeeze %dma_wait3A_256 : memref<1x8x20xi32, #tpu.memory_space<hbm>> -> memref<8x20xi32, #tpu.memory_space<hbm>>
      tpu.wait_dma2 semaphore(%run_scoped3A : memref<!tpu.dma_semaphore, #tpu.memory_space<semaphore_mem>>) src(%dma_wait3A_257 : memref<8x20xi32, #tpu.memory_space<hbm>>) dst(%arg5 : memref<8x20xi32, #tpu.memory_space<vmem>>)
      tpu.yield
    }) : () -> ()
    %dma_start3A = arith.constant 0 : i32
    %dma_start3A_4 = tpu.memref_reshape %arg6 : memref<5x4x1024xf32, #tpu.memory_space<vmem>> -> memref<20x1024xf32, #tpu.memory_space<vmem>>
    %dma_start3A_5 = arith.constant 0 : i32
    %dma_start3A_6 = tpu.memref_slice %arg5[%dma_start3A, %dma_start3A_5] : memref<8x20xi32, #tpu.memory_space<vmem>> -> memref<1x20xi32, #tpu.memory_space<vmem>>
    %dma_start3A_7 = tpu.memref_squeeze %dma_start3A_6 : memref<1x20xi32, #tpu.memory_space<vmem>> -> memref<20xi32, #tpu.memory_space<vmem>>
    %dma_start3A_8 = arith.constant 0 : i32
    %dma_start3A_9 = arith.constant 0 : i32
    %dma_start3A_10 = tpu.memref_slice %arg2[%dma_start3A_8, %dma_start3A_9] : memref<32768x1024xf32, #tpu.memory_space<hbm>> -> memref<32768x1024xf32, #tpu.memory_space<hbm>>
    tpu.enqueue_indirect_dma source(%dma_start3A_10 : memref<32768x1024xf32, #tpu.memory_space<hbm>>) target(%dma_start3A_4 : memref<20x1024xf32, #tpu.memory_space<vmem>>) offsets(%dma_start3A_7 : memref<20xi32, #tpu.memory_space<vmem>>) semaphore(%arg10 : memref<!tpu.dma_semaphore, #tpu.memory_space<semaphore_mem>>)
    %dma_start3A_11 = arith.constant 1 : i32
    %dma_start3A_12 = tpu.memref_reshape %arg7 : memref<5x4x1024xf32, #tpu.memory_space<vmem>> -> memref<20x1024xf32, #tpu.memory_space<vmem>>
    %dma_start3A_13 = arith.constant 0 : i32
    %dma_start3A_14 = tpu.memref_slice %arg5[%dma_start3A_11, %dma_start3A_13] : memref<8x20xi32, #tpu.memory_space<vmem>> -> memref<1x20xi32, #tpu.memory_space<vmem>>
    %dma_start3A_15 = tpu.memref_squeeze %dma_start3A_14 : memref<1x20xi32, #tpu.memory_space<vmem>> -> memref<20xi32, #tpu.memory_space<vmem>>
    %dma_start3A_16 = arith.constant 0 : i32
    %dma_start3A_17 = arith.constant 0 : i32
    %dma_start3A_18 = tpu.memref_slice %arg2[%dma_start3A_16, %dma_start3A_17] : memref<32768x1024xf32, #tpu.memory_space<hbm>> -> memref<32768x1024xf32, #tpu.memory_space<hbm>>
    tpu.enqueue_indirect_dma source(%dma_start3A_18 : memref<32768x1024xf32, #tpu.memory_space<hbm>>) target(%dma_start3A_12 : memref<20x1024xf32, #tpu.memory_space<vmem>>) offsets(%dma_start3A_15 : memref<20xi32, #tpu.memory_space<vmem>>) semaphore(%arg11 : memref<!tpu.dma_semaphore, #tpu.memory_space<semaphore_mem>>)
    %dma_start3A_19 = arith.constant 2 : i32
    %dma_start3A_20 = tpu.memref_reshape %arg8 : memref<5x4x1024xf32, #tpu.memory_space<vmem>> -> memref<20x1024xf32, #tpu.memory_space<vmem>>
    %dma_start3A_21 = arith.constant 0 : i32
    %dma_start3A_22 = tpu.memref_slice %arg5[%dma_start3A_19, %dma_start3A_21] : memref<8x20xi32, #tpu.memory_space<vmem>> -> memref<1x20xi32, #tpu.memory_space<vmem>>
    %dma_start3A_23 = tpu.memref_squeeze %dma_start3A_22 : memref<1x20xi32, #tpu.memory_space<vmem>> -> memref<20xi32, #tpu.memory_space<vmem>>
    %dma_start3A_24 = arith.constant 0 : i32
    %dma_start3A_25 = arith.constant 0 : i32
    %dma_start3A_26 = tpu.memref_slice %arg2[%dma_start3A_24, %dma_start3A_25] : memref<32768x1024xf32, #tpu.memory_space<hbm>> -> memref<32768x1024xf32, #tpu.memory_space<hbm>>
    tpu.enqueue_indirect_dma source(%dma_start3A_26 : memref<32768x1024xf32, #tpu.memory_space<hbm>>) target(%dma_start3A_20 : memref<20x1024xf32, #tpu.memory_space<vmem>>) offsets(%dma_start3A_23 : memref<20xi32, #tpu.memory_space<vmem>>) semaphore(%arg12 : memref<!tpu.dma_semaphore, #tpu.memory_space<semaphore_mem>>)
    %dma_wait3A = arith.constant 0 : i32
    %dma_wait3A_27 = tpu.memref_reshape %arg6 : memref<5x4x1024xf32, #tpu.memory_space<vmem>> -> memref<20x1024xf32, #tpu.memory_space<vmem>>
    %dma_wait3A_28 = arith.constant 0 : i32
    %dma_wait3A_29 = tpu.memref_slice %arg5[%dma_wait3A, %dma_wait3A_28] : memref<8x20xi32, #tpu.memory_space<vmem>> -> memref<1x20xi32, #tpu.memory_space<vmem>>
    %dma_wait3A_30 = tpu.memref_squeeze %dma_wait3A_29 : memref<1x20xi32, #tpu.memory_space<vmem>> -> memref<20xi32, #tpu.memory_space<vmem>>
    %dma_wait3A_31 = arith.constant 0 : i32
    %dma_wait3A_32 = arith.constant 0 : i32
    %dma_wait3A_33 = tpu.memref_slice %arg2[%dma_wait3A_31, %dma_wait3A_32] : memref<32768x1024xf32, #tpu.memory_space<hbm>> -> memref<32768x1024xf32, #tpu.memory_space<hbm>>
    tpu.wait_indirect_dma semaphore(%arg10 : memref<!tpu.dma_semaphore, #tpu.memory_space<semaphore_mem>>) src(%dma_wait3A_33 : memref<32768x1024xf32, #tpu.memory_space<hbm>>) dst(%dma_wait3A_27 : memref<20x1024xf32, #tpu.memory_space<vmem>>)
    %add3A_34 = arith.constant 0 : i32
    %add3A_35 = arith.addi %min3A_3, %add3A_34 : i32
    %dma_start3A_36 = arith.constant 0 : i32
    %dma_start3A_37 = arith.constant 0 : i32
    %dma_start3A_38 = tpu.memref_slice %arg4[%add3A_35, %dma_start3A_36, %dma_start3A_37] : memref<1228x4x1024xf32, #tpu.memory_space<hbm>> -> memref<5x4x1024xf32, #tpu.memory_space<hbm>>
    %dma_start3A_39 = arith.constant 0 : i32
    %dma_start3A_40 = arith.constant 0 : i32
    %dma_start3A_41 = tpu.memref_slice %arg4[%add3A_35, %dma_start3A_39, %dma_start3A_40] : memref<1228x4x1024xf32, #tpu.memory_space<hbm>> -> memref<5x4x1024xf32, #tpu.memory_space<hbm>>
    tpu.enqueue_dma source(%arg6 : memref<5x4x1024xf32, #tpu.memory_space<vmem>>) target(%dma_start3A_41 : memref<5x4x1024xf32, #tpu.memory_space<hbm>>) target_semaphore(%arg14 : memref<!tpu.dma_semaphore, #tpu.memory_space<semaphore_mem>>)
    %dma_start3A_42 = arith.constant 3 : i32
    %dma_start3A_43 = tpu.memref_reshape %arg9 : memref<5x4x1024xf32, #tpu.memory_space<vmem>> -> memref<20x1024xf32, #tpu.memory_space<vmem>>
    %dma_start3A_44 = arith.constant 0 : i32
    %dma_start3A_45 = tpu.memref_slice %arg5[%dma_start3A_42, %dma_start3A_44] : memref<8x20xi32, #tpu.memory_space<vmem>> -> memref<1x20xi32, #tpu.memory_space<vmem>>
    %dma_start3A_46 = tpu.memref_squeeze %dma_start3A_45 : memref<1x20xi32, #tpu.memory_space<vmem>> -> memref<20xi32, #tpu.memory_space<vmem>>
    %dma_start3A_47 = arith.constant 0 : i32
    %dma_start3A_48 = arith.constant 0 : i32
    %dma_start3A_49 = tpu.memref_slice %arg2[%dma_start3A_47, %dma_start3A_48] : memref<32768x1024xf32, #tpu.memory_space<hbm>> -> memref<32768x1024xf32, #tpu.memory_space<hbm>>
    tpu.enqueue_indirect_dma source(%dma_start3A_49 : memref<32768x1024xf32, #tpu.memory_space<hbm>>) target(%dma_start3A_43 : memref<20x1024xf32, #tpu.memory_space<vmem>>) offsets(%dma_start3A_46 : memref<20xi32, #tpu.memory_space<vmem>>) semaphore(%arg13 : memref<!tpu.dma_semaphore, #tpu.memory_space<semaphore_mem>>)
    %dma_wait3A_50 = arith.constant 1 : i32
    %dma_wait3A_51 = tpu.memref_reshape %arg7 : memref<5x4x1024xf32, #tpu.memory_space<vmem>> -> memref<20x1024xf32, #tpu.memory_space<vmem>>
    %dma_wait3A_52 = arith.constant 0 : i32
    %dma_wait3A_53 = tpu.memref_slice %arg5[%dma_wait3A_50, %dma_wait3A_52] : memref<8x20xi32, #tpu.memory_space<vmem>> -> memref<1x20xi32, #tpu.memory_space<vmem>>
    %dma_wait3A_54 = tpu.memref_squeeze %dma_wait3A_53 : memref<1x20xi32, #tpu.memory_space<vmem>> -> memref<20xi32, #tpu.memory_space<vmem>>
    %dma_wait3A_55 = arith.constant 0 : i32
    %dma_wait3A_56 = arith.constant 0 : i32
    %dma_wait3A_57 = tpu.memref_slice %arg2[%dma_wait3A_55, %dma_wait3A_56] : memref<32768x1024xf32, #tpu.memory_space<hbm>> -> memref<32768x1024xf32, #tpu.memory_space<hbm>>
    tpu.wait_indirect_dma semaphore(%arg11 : memref<!tpu.dma_semaphore, #tpu.memory_space<semaphore_mem>>) src(%dma_wait3A_57 : memref<32768x1024xf32, #tpu.memory_space<hbm>>) dst(%dma_wait3A_51 : memref<20x1024xf32, #tpu.memory_space<vmem>>)
    %add3A_58 = arith.constant 5 : i32
    %add3A_59 = arith.addi %min3A_3, %add3A_58 : i32
    %dma_start3A_60 = arith.constant 0 : i32
    %dma_start3A_61 = arith.constant 0 : i32
    %dma_start3A_62 = tpu.memref_slice %arg4[%add3A_59, %dma_start3A_60, %dma_start3A_61] : memref<1228x4x1024xf32, #tpu.memory_space<hbm>> -> memref<5x4x1024xf32, #tpu.memory_space<hbm>>
    %dma_start3A_63 = arith.constant 0 : i32
    %dma_start3A_64 = arith.constant 0 : i32
    %dma_start3A_65 = tpu.memref_slice %arg4[%add3A_59, %dma_start3A_63, %dma_start3A_64] : memref<1228x4x1024xf32, #tpu.memory_space<hbm>> -> memref<5x4x1024xf32, #tpu.memory_space<hbm>>
    tpu.enqueue_dma source(%arg7 : memref<5x4x1024xf32, #tpu.memory_space<vmem>>) target(%dma_start3A_65 : memref<5x4x1024xf32, #tpu.memory_space<hbm>>) target_semaphore(%arg15 : memref<!tpu.dma_semaphore, #tpu.memory_space<semaphore_mem>>)
    %dma_wait3A_66 = arith.constant 0 : i32
    %dma_wait3A_67 = arith.constant 0 : i32
    %dma_wait3A_68 = tpu.memref_slice %arg4[%add3A_35, %dma_wait3A_66, %dma_wait3A_67] : memref<1228x4x1024xf32, #tpu.memory_space<hbm>> -> memref<5x4x1024xf32, #tpu.memory_space<hbm>>
    %dma_wait3A_69 = arith.constant 0 : i32
    %dma_wait3A_70 = arith.constant 0 : i32
    %dma_wait3A_71 = tpu.memref_slice %arg4[%add3A_35, %dma_wait3A_69, %dma_wait3A_70] : memref<1228x4x1024xf32, #tpu.memory_space<hbm>> -> memref<5x4x1024xf32, #tpu.memory_space<hbm>>
    tpu.wait_dma2 semaphore(%arg14 : memref<!tpu.dma_semaphore, #tpu.memory_space<semaphore_mem>>) src(%arg6 : memref<5x4x1024xf32, #tpu.memory_space<vmem>>) dst(%dma_wait3A_71 : memref<5x4x1024xf32, #tpu.memory_space<hbm>>)
    %dma_start3A_72 = arith.constant 4 : i32
    %dma_start3A_73 = tpu.memref_reshape %arg6 : memref<5x4x1024xf32, #tpu.memory_space<vmem>> -> memref<20x1024xf32, #tpu.memory_space<vmem>>
    %dma_start3A_74 = arith.constant 0 : i32
    %dma_start3A_75 = tpu.memref_slice %arg5[%dma_start3A_72, %dma_start3A_74] : memref<8x20xi32, #tpu.memory_space<vmem>> -> memref<1x20xi32, #tpu.memory_space<vmem>>
    %dma_start3A_76 = tpu.memref_squeeze %dma_start3A_75 : memref<1x20xi32, #tpu.memory_space<vmem>> -> memref<20xi32, #tpu.memory_space<vmem>>
    %dma_start3A_77 = arith.constant 0 : i32
    %dma_start3A_78 = arith.constant 0 : i32
    %dma_start3A_79 = tpu.memref_slice %arg2[%dma_start3A_77, %dma_start3A_78] : memref<32768x1024xf32, #tpu.memory_space<hbm>> -> memref<32768x1024xf32, #tpu.memory_space<hbm>>
    tpu.enqueue_indirect_dma source(%dma_start3A_79 : memref<32768x1024xf32, #tpu.memory_space<hbm>>) target(%dma_start3A_73 : memref<20x1024xf32, #tpu.memory_space<vmem>>) offsets(%dma_start3A_76 : memref<20xi32, #tpu.memory_space<vmem>>) semaphore(%arg10 : memref<!tpu.dma_semaphore, #tpu.memory_space<semaphore_mem>>)
    %dma_wait3A_80 = arith.constant 2 : i32
    %dma_wait3A_81 = tpu.memref_reshape %arg8 : memref<5x4x1024xf32, #tpu.memory_space<vmem>> -> memref<20x1024xf32, #tpu.memory_space<vmem>>
    %dma_wait3A_82 = arith.constant 0 : i32
    %dma_wait3A_83 = tpu.memref_slice %arg5[%dma_wait3A_80, %dma_wait3A_82] : memref<8x20xi32, #tpu.memory_space<vmem>> -> memref<1x20xi32, #tpu.memory_space<vmem>>
    %dma_wait3A_84 = tpu.memref_squeeze %dma_wait3A_83 : memref<1x20xi32, #tpu.memory_space<vmem>> -> memref<20xi32, #tpu.memory_space<vmem>>
    %dma_wait3A_85 = arith.constant 0 : i32
    %dma_wait3A_86 = arith.constant 0 : i32
    %dma_wait3A_87 = tpu.memref_slice %arg2[%dma_wait3A_85, %dma_wait3A_86] : memref<32768x1024xf32, #tpu.memory_space<hbm>> -> memref<32768x1024xf32, #tpu.memory_space<hbm>>
    tpu.wait_indirect_dma semaphore(%arg12 : memref<!tpu.dma_semaphore, #tpu.memory_space<semaphore_mem>>) src(%dma_wait3A_87 : memref<32768x1024xf32, #tpu.memory_space<hbm>>) dst(%dma_wait3A_81 : memref<20x1024xf32, #tpu.memory_space<vmem>>)
    %add3A_88 = arith.constant 10 : i32
    %add3A_89 = arith.addi %min3A_3, %add3A_88 : i32
    %dma_start3A_90 = arith.constant 0 : i32
    %dma_start3A_91 = arith.constant 0 : i32
    %dma_start3A_92 = tpu.memref_slice %arg4[%add3A_89, %dma_start3A_90, %dma_start3A_91] : memref<1228x4x1024xf32, #tpu.memory_space<hbm>> -> memref<5x4x1024xf32, #tpu.memory_space<hbm>>
    %dma_start3A_93 = arith.constant 0 : i32
    %dma_start3A_94 = arith.constant 0 : i32
    %dma_start3A_95 = tpu.memref_slice %arg4[%add3A_89, %dma_start3A_93, %dma_start3A_94] : memref<1228x4x1024xf32, #tpu.memory_space<hbm>> -> memref<5x4x1024xf32, #tpu.memory_space<hbm>>
    tpu.enqueue_dma source(%arg8 : memref<5x4x1024xf32, #tpu.memory_space<vmem>>) target(%dma_start3A_95 : memref<5x4x1024xf32, #tpu.memory_space<hbm>>) target_semaphore(%arg16 : memref<!tpu.dma_semaphore, #tpu.memory_space<semaphore_mem>>)
    %dma_wait3A_96 = arith.constant 0 : i32
    %dma_wait3A_97 = arith.constant 0 : i32
    %dma_wait3A_98 = tpu.memref_slice %arg4[%add3A_59, %dma_wait3A_96, %dma_wait3A_97] : memref<1228x4x1024xf32, #tpu.memory_space<hbm>> -> memref<5x4x1024xf32, #tpu.memory_space<hbm>>
    %dma_wait3A_99 = arith.constant 0 : i32
    %dma_wait3A_100 = arith.constant 0 : i32
    %dma_wait3A_101 = tpu.memref_slice %arg4[%add3A_59, %dma_wait3A_99, %dma_wait3A_100] : memref<1228x4x1024xf32, #tpu.memory_space<hbm>> -> memref<5x4x1024xf32, #tpu.memory_space<hbm>>
    tpu.wait_dma2 semaphore(%arg15 : memref<!tpu.dma_semaphore, #tpu.memory_space<semaphore_mem>>) src(%arg7 : memref<5x4x1024xf32, #tpu.memory_space<vmem>>) dst(%dma_wait3A_101 : memref<5x4x1024xf32, #tpu.memory_space<hbm>>)
    %dma_start3A_102 = arith.constant 5 : i32
    %dma_start3A_103 = tpu.memref_reshape %arg7 : memref<5x4x1024xf32, #tpu.memory_space<vmem>> -> memref<20x1024xf32, #tpu.memory_space<vmem>>
    %dma_start3A_104 = arith.constant 0 : i32
    %dma_start3A_105 = tpu.memref_slice %arg5[%dma_start3A_102, %dma_start3A_104] : memref<8x20xi32, #tpu.memory_space<vmem>> -> memref<1x20xi32, #tpu.memory_space<vmem>>
    %dma_start3A_106 = tpu.memref_squeeze %dma_start3A_105 : memref<1x20xi32, #tpu.memory_space<vmem>> -> memref<20xi32, #tpu.memory_space<vmem>>
    %dma_start3A_107 = arith.constant 0 : i32
    %dma_start3A_108 = arith.constant 0 : i32
    %dma_start3A_109 = tpu.memref_slice %arg2[%dma_start3A_107, %dma_start3A_108] : memref<32768x1024xf32, #tpu.memory_space<hbm>> -> memref<32768x1024xf32, #tpu.memory_space<hbm>>
    tpu.enqueue_indirect_dma source(%dma_start3A_109 : memref<32768x1024xf32, #tpu.memory_space<hbm>>) target(%dma_start3A_103 : memref<20x1024xf32, #tpu.memory_space<vmem>>) offsets(%dma_start3A_106 : memref<20xi32, #tpu.memory_space<vmem>>) semaphore(%arg11 : memref<!tpu.dma_semaphore, #tpu.memory_space<semaphore_mem>>)
    %dma_wait3A_110 = arith.constant 3 : i32
    %dma_wait3A_111 = tpu.memref_reshape %arg9 : memref<5x4x1024xf32, #tpu.memory_space<vmem>> -> memref<20x1024xf32, #tpu.memory_space<vmem>>
    %dma_wait3A_112 = arith.constant 0 : i32
    %dma_wait3A_113 = tpu.memref_slice %arg5[%dma_wait3A_110, %dma_wait3A_112] : memref<8x20xi32, #tpu.memory_space<vmem>> -> memref<1x20xi32, #tpu.memory_space<vmem>>
    %dma_wait3A_114 = tpu.memref_squeeze %dma_wait3A_113 : memref<1x20xi32, #tpu.memory_space<vmem>> -> memref<20xi32, #tpu.memory_space<vmem>>
    %dma_wait3A_115 = arith.constant 0 : i32
    %dma_wait3A_116 = arith.constant 0 : i32
    %dma_wait3A_117 = tpu.memref_slice %arg2[%dma_wait3A_115, %dma_wait3A_116] : memref<32768x1024xf32, #tpu.memory_space<hbm>> -> memref<32768x1024xf32, #tpu.memory_space<hbm>>
    tpu.wait_indirect_dma semaphore(%arg13 : memref<!tpu.dma_semaphore, #tpu.memory_space<semaphore_mem>>) src(%dma_wait3A_117 : memref<32768x1024xf32, #tpu.memory_space<hbm>>) dst(%dma_wait3A_111 : memref<20x1024xf32, #tpu.memory_space<vmem>>)
    %add3A_118 = arith.constant 15 : i32
    %add3A_119 = arith.addi %min3A_3, %add3A_118 : i32
    %dma_start3A_120 = arith.constant 0 : i32
    %dma_start3A_121 = arith.constant 0 : i32
    %dma_start3A_122 = tpu.memref_slice %arg4[%add3A_119, %dma_start3A_120, %dma_start3A_121] : memref<1228x4x1024xf32, #tpu.memory_space<hbm>> -> memref<5x4x1024xf32, #tpu.memory_space<hbm>>
    %dma_start3A_123 = arith.constant 0 : i32
    %dma_start3A_124 = arith.constant 0 : i32
    %dma_start3A_125 = tpu.memref_slice %arg4[%add3A_119, %dma_start3A_123, %dma_start3A_124] : memref<1228x4x1024xf32, #tpu.memory_space<hbm>> -> memref<5x4x1024xf32, #tpu.memory_space<hbm>>
    tpu.enqueue_dma source(%arg9 : memref<5x4x1024xf32, #tpu.memory_space<vmem>>) target(%dma_start3A_125 : memref<5x4x1024xf32, #tpu.memory_space<hbm>>) target_semaphore(%arg17 : memref<!tpu.dma_semaphore, #tpu.memory_space<semaphore_mem>>)
    %dma_wait3A_126 = arith.constant 0 : i32
    %dma_wait3A_127 = arith.constant 0 : i32
    %dma_wait3A_128 = tpu.memref_slice %arg4[%add3A_89, %dma_wait3A_126, %dma_wait3A_127] : memref<1228x4x1024xf32, #tpu.memory_space<hbm>> -> memref<5x4x1024xf32, #tpu.memory_space<hbm>>
    %dma_wait3A_129 = arith.constant 0 : i32
    %dma_wait3A_130 = arith.constant 0 : i32
    %dma_wait3A_131 = tpu.memref_slice %arg4[%add3A_89, %dma_wait3A_129, %dma_wait3A_130] : memref<1228x4x1024xf32, #tpu.memory_space<hbm>> -> memref<5x4x1024xf32, #tpu.memory_space<hbm>>
    tpu.wait_dma2 semaphore(%arg16 : memref<!tpu.dma_semaphore, #tpu.memory_space<semaphore_mem>>) src(%arg8 : memref<5x4x1024xf32, #tpu.memory_space<vmem>>) dst(%dma_wait3A_131 : memref<5x4x1024xf32, #tpu.memory_space<hbm>>)
    %dma_start3A_132 = arith.constant 6 : i32
    %dma_start3A_133 = tpu.memref_reshape %arg8 : memref<5x4x1024xf32, #tpu.memory_space<vmem>> -> memref<20x1024xf32, #tpu.memory_space<vmem>>
    %dma_start3A_134 = arith.constant 0 : i32
    %dma_start3A_135 = tpu.memref_slice %arg5[%dma_start3A_132, %dma_start3A_134] : memref<8x20xi32, #tpu.memory_space<vmem>> -> memref<1x20xi32, #tpu.memory_space<vmem>>
    %dma_start3A_136 = tpu.memref_squeeze %dma_start3A_135 : memref<1x20xi32, #tpu.memory_space<vmem>> -> memref<20xi32, #tpu.memory_space<vmem>>
    %dma_start3A_137 = arith.constant 0 : i32
    %dma_start3A_138 = arith.constant 0 : i32
    %dma_start3A_139 = tpu.memref_slice %arg2[%dma_start3A_137, %dma_start3A_138] : memref<32768x1024xf32, #tpu.memory_space<hbm>> -> memref<32768x1024xf32, #tpu.memory_space<hbm>>
    tpu.enqueue_indirect_dma source(%dma_start3A_139 : memref<32768x1024xf32, #tpu.memory_space<hbm>>) target(%dma_start3A_133 : memref<20x1024xf32, #tpu.memory_space<vmem>>) offsets(%dma_start3A_136 : memref<20xi32, #tpu.memory_space<vmem>>) semaphore(%arg12 : memref<!tpu.dma_semaphore, #tpu.memory_space<semaphore_mem>>)
    %dma_wait3A_140 = arith.constant 4 : i32
    %dma_wait3A_141 = tpu.memref_reshape %arg6 : memref<5x4x1024xf32, #tpu.memory_space<vmem>> -> memref<20x1024xf32, #tpu.memory_space<vmem>>
    %dma_wait3A_142 = arith.constant 0 : i32
    %dma_wait3A_143 = tpu.memref_slice %arg5[%dma_wait3A_140, %dma_wait3A_142] : memref<8x20xi32, #tpu.memory_space<vmem>> -> memref<1x20xi32, #tpu.memory_space<vmem>>
    %dma_wait3A_144 = tpu.memref_squeeze %dma_wait3A_143 : memref<1x20xi32, #tpu.memory_space<vmem>> -> memref<20xi32, #tpu.memory_space<vmem>>
    %dma_wait3A_145 = arith.constant 0 : i32
    %dma_wait3A_146 = arith.constant 0 : i32
    %dma_wait3A_147 = tpu.memref_slice %arg2[%dma_wait3A_145, %dma_wait3A_146] : memref<32768x1024xf32, #tpu.memory_space<hbm>> -> memref<32768x1024xf32, #tpu.memory_space<hbm>>
    tpu.wait_indirect_dma semaphore(%arg10 : memref<!tpu.dma_semaphore, #tpu.memory_space<semaphore_mem>>) src(%dma_wait3A_147 : memref<32768x1024xf32, #tpu.memory_space<hbm>>) dst(%dma_wait3A_141 : memref<20x1024xf32, #tpu.memory_space<vmem>>)
    %add3A_148 = arith.constant 20 : i32
    %add3A_149 = arith.addi %min3A_3, %add3A_148 : i32
    %dma_start3A_150 = arith.constant 0 : i32
    %dma_start3A_151 = arith.constant 0 : i32
    %dma_start3A_152 = tpu.memref_slice %arg4[%add3A_149, %dma_start3A_150, %dma_start3A_151] : memref<1228x4x1024xf32, #tpu.memory_space<hbm>> -> memref<5x4x1024xf32, #tpu.memory_space<hbm>>
    %dma_start3A_153 = arith.constant 0 : i32
    %dma_start3A_154 = arith.constant 0 : i32
    %dma_start3A_155 = tpu.memref_slice %arg4[%add3A_149, %dma_start3A_153, %dma_start3A_154] : memref<1228x4x1024xf32, #tpu.memory_space<hbm>> -> memref<5x4x1024xf32, #tpu.memory_space<hbm>>
    tpu.enqueue_dma source(%arg6 : memref<5x4x1024xf32, #tpu.memory_space<vmem>>) target(%dma_start3A_155 : memref<5x4x1024xf32, #tpu.memory_space<hbm>>) target_semaphore(%arg14 : memref<!tpu.dma_semaphore, #tpu.memory_space<semaphore_mem>>)
    %dma_wait3A_156 = arith.constant 0 : i32
    %dma_wait3A_157 = arith.constant 0 : i32
    %dma_wait3A_158 = tpu.memref_slice %arg4[%add3A_119, %dma_wait3A_156, %dma_wait3A_157] : memref<1228x4x1024xf32, #tpu.memory_space<hbm>> -> memref<5x4x1024xf32, #tpu.memory_space<hbm>>
    %dma_wait3A_159 = arith.constant 0 : i32
    %dma_wait3A_160 = arith.constant 0 : i32
    %dma_wait3A_161 = tpu.memref_slice %arg4[%add3A_119, %dma_wait3A_159, %dma_wait3A_160] : memref<1228x4x1024xf32, #tpu.memory_space<hbm>> -> memref<5x4x1024xf32, #tpu.memory_space<hbm>>
    tpu.wait_dma2 semaphore(%arg17 : memref<!tpu.dma_semaphore, #tpu.memory_space<semaphore_mem>>) src(%arg9 : memref<5x4x1024xf32, #tpu.memory_space<vmem>>) dst(%dma_wait3A_161 : memref<5x4x1024xf32, #tpu.memory_space<hbm>>)
    %dma_start3A_162 = arith.constant 7 : i32
    %dma_start3A_163 = tpu.memref_reshape %arg9 : memref<5x4x1024xf32, #tpu.memory_space<vmem>> -> memref<20x1024xf32, #tpu.memory_space<vmem>>
    %dma_start3A_164 = arith.constant 0 : i32
    %dma_start3A_165 = tpu.memref_slice %arg5[%dma_start3A_162, %dma_start3A_164] : memref<8x20xi32, #tpu.memory_space<vmem>> -> memref<1x20xi32, #tpu.memory_space<vmem>>
    %dma_start3A_166 = tpu.memref_squeeze %dma_start3A_165 : memref<1x20xi32, #tpu.memory_space<vmem>> -> memref<20xi32, #tpu.memory_space<vmem>>
    %dma_start3A_167 = arith.constant 0 : i32
    %dma_start3A_168 = arith.constant 0 : i32
    %dma_start3A_169 = tpu.memref_slice %arg2[%dma_start3A_167, %dma_start3A_168] : memref<32768x1024xf32, #tpu.memory_space<hbm>> -> memref<32768x1024xf32, #tpu.memory_space<hbm>>
    tpu.enqueue_indirect_dma source(%dma_start3A_169 : memref<32768x1024xf32, #tpu.memory_space<hbm>>) target(%dma_start3A_163 : memref<20x1024xf32, #tpu.memory_space<vmem>>) offsets(%dma_start3A_166 : memref<20xi32, #tpu.memory_space<vmem>>) semaphore(%arg13 : memref<!tpu.dma_semaphore, #tpu.memory_space<semaphore_mem>>)
    %dma_wait3A_170 = arith.constant 5 : i32
    %dma_wait3A_171 = tpu.memref_reshape %arg7 : memref<5x4x1024xf32, #tpu.memory_space<vmem>> -> memref<20x1024xf32, #tpu.memory_space<vmem>>
    %dma_wait3A_172 = arith.constant 0 : i32
    %dma_wait3A_173 = tpu.memref_slice %arg5[%dma_wait3A_170, %dma_wait3A_172] : memref<8x20xi32, #tpu.memory_space<vmem>> -> memref<1x20xi32, #tpu.memory_space<vmem>>
    %dma_wait3A_174 = tpu.memref_squeeze %dma_wait3A_173 : memref<1x20xi32, #tpu.memory_space<vmem>> -> memref<20xi32, #tpu.memory_space<vmem>>
    %dma_wait3A_175 = arith.constant 0 : i32
    %dma_wait3A_176 = arith.constant 0 : i32
    %dma_wait3A_177 = tpu.memref_slice %arg2[%dma_wait3A_175, %dma_wait3A_176] : memref<32768x1024xf32, #tpu.memory_space<hbm>> -> memref<32768x1024xf32, #tpu.memory_space<hbm>>
    tpu.wait_indirect_dma semaphore(%arg11 : memref<!tpu.dma_semaphore, #tpu.memory_space<semaphore_mem>>) src(%dma_wait3A_177 : memref<32768x1024xf32, #tpu.memory_space<hbm>>) dst(%dma_wait3A_171 : memref<20x1024xf32, #tpu.memory_space<vmem>>)
    %add3A_178 = arith.constant 25 : i32
    %add3A_179 = arith.addi %min3A_3, %add3A_178 : i32
    %dma_start3A_180 = arith.constant 0 : i32
    %dma_start3A_181 = arith.constant 0 : i32
    %dma_start3A_182 = tpu.memref_slice %arg4[%add3A_179, %dma_start3A_180, %dma_start3A_181] : memref<1228x4x1024xf32, #tpu.memory_space<hbm>> -> memref<5x4x1024xf32, #tpu.memory_space<hbm>>
    %dma_start3A_183 = arith.constant 0 : i32
    %dma_start3A_184 = arith.constant 0 : i32
    %dma_start3A_185 = tpu.memref_slice %arg4[%add3A_179, %dma_start3A_183, %dma_start3A_184] : memref<1228x4x1024xf32, #tpu.memory_space<hbm>> -> memref<5x4x1024xf32, #tpu.memory_space<hbm>>
    tpu.enqueue_dma source(%arg7 : memref<5x4x1024xf32, #tpu.memory_space<vmem>>) target(%dma_start3A_185 : memref<5x4x1024xf32, #tpu.memory_space<hbm>>) target_semaphore(%arg15 : memref<!tpu.dma_semaphore, #tpu.memory_space<semaphore_mem>>)
    %dma_wait3A_186 = arith.constant 6 : i32
    %dma_wait3A_187 = tpu.memref_reshape %arg8 : memref<5x4x1024xf32, #tpu.memory_space<vmem>> -> memref<20x1024xf32, #tpu.memory_space<vmem>>
    %dma_wait3A_188 = arith.constant 0 : i32
    %dma_wait3A_189 = tpu.memref_slice %arg5[%dma_wait3A_186, %dma_wait3A_188] : memref<8x20xi32, #tpu.memory_space<vmem>> -> memref<1x20xi32, #tpu.memory_space<vmem>>
    %dma_wait3A_190 = tpu.memref_squeeze %dma_wait3A_189 : memref<1x20xi32, #tpu.memory_space<vmem>> -> memref<20xi32, #tpu.memory_space<vmem>>
    %dma_wait3A_191 = arith.constant 0 : i32
    %dma_wait3A_192 = arith.constant 0 : i32
    %dma_wait3A_193 = tpu.memref_slice %arg2[%dma_wait3A_191, %dma_wait3A_192] : memref<32768x1024xf32, #tpu.memory_space<hbm>> -> memref<32768x1024xf32, #tpu.memory_space<hbm>>
    tpu.wait_indirect_dma semaphore(%arg12 : memref<!tpu.dma_semaphore, #tpu.memory_space<semaphore_mem>>) src(%dma_wait3A_193 : memref<32768x1024xf32, #tpu.memory_space<hbm>>) dst(%dma_wait3A_187 : memref<20x1024xf32, #tpu.memory_space<vmem>>)
    %add3A_194 = arith.constant 30 : i32
    %add3A_195 = arith.addi %min3A_3, %add3A_194 : i32
    %dma_start3A_196 = arith.constant 0 : i32
    %dma_start3A_197 = arith.constant 0 : i32
    %dma_start3A_198 = tpu.memref_slice %arg4[%add3A_195, %dma_start3A_196, %dma_start3A_197] : memref<1228x4x1024xf32, #tpu.memory_space<hbm>> -> memref<5x4x1024xf32, #tpu.memory_space<hbm>>
    %dma_start3A_199 = arith.constant 0 : i32
    %dma_start3A_200 = arith.constant 0 : i32
    %dma_start3A_201 = tpu.memref_slice %arg4[%add3A_195, %dma_start3A_199, %dma_start3A_200] : memref<1228x4x1024xf32, #tpu.memory_space<hbm>> -> memref<5x4x1024xf32, #tpu.memory_space<hbm>>
    tpu.enqueue_dma source(%arg8 : memref<5x4x1024xf32, #tpu.memory_space<vmem>>) target(%dma_start3A_201 : memref<5x4x1024xf32, #tpu.memory_space<hbm>>) target_semaphore(%arg16 : memref<!tpu.dma_semaphore, #tpu.memory_space<semaphore_mem>>)
    %dma_wait3A_202 = arith.constant 7 : i32
    %dma_wait3A_203 = tpu.memref_reshape %arg9 : memref<5x4x1024xf32, #tpu.memory_space<vmem>> -> memref<20x1024xf32, #tpu.memory_space<vmem>>
    %dma_wait3A_204 = arith.constant 0 : i32
    %dma_wait3A_205 = tpu.memref_slice %arg5[%dma_wait3A_202, %dma_wait3A_204] : memref<8x20xi32, #tpu.memory_space<vmem>> -> memref<1x20xi32, #tpu.memory_space<vmem>>
    %dma_wait3A_206 = tpu.memref_squeeze %dma_wait3A_205 : memref<1x20xi32, #tpu.memory_space<vmem>> -> memref<20xi32, #tpu.memory_space<vmem>>
    %dma_wait3A_207 = arith.constant 0 : i32
    %dma_wait3A_208 = arith.constant 0 : i32
    %dma_wait3A_209 = tpu.memref_slice %arg2[%dma_wait3A_207, %dma_wait3A_208] : memref<32768x1024xf32, #tpu.memory_space<hbm>> -> memref<32768x1024xf32, #tpu.memory_space<hbm>>
    tpu.wait_indirect_dma semaphore(%arg13 : memref<!tpu.dma_semaphore, #tpu.memory_space<semaphore_mem>>) src(%dma_wait3A_209 : memref<32768x1024xf32, #tpu.memory_space<hbm>>) dst(%dma_wait3A_203 : memref<20x1024xf32, #tpu.memory_space<vmem>>)
    %add3A_210 = arith.constant 35 : i32
    %add3A_211 = arith.addi %min3A_3, %add3A_210 : i32
    %dma_start3A_212 = arith.constant 0 : i32
    %dma_start3A_213 = arith.constant 0 : i32
    %dma_start3A_214 = tpu.memref_slice %arg4[%add3A_211, %dma_start3A_212, %dma_start3A_213] : memref<1228x4x1024xf32, #tpu.memory_space<hbm>> -> memref<5x4x1024xf32, #tpu.memory_space<hbm>>
    %dma_start3A_215 = arith.constant 0 : i32
    %dma_start3A_216 = arith.constant 0 : i32
    %dma_start3A_217 = tpu.memref_slice %arg4[%add3A_211, %dma_start3A_215, %dma_start3A_216] : memref<1228x4x1024xf32, #tpu.memory_space<hbm>> -> memref<5x4x1024xf32, #tpu.memory_space<hbm>>
    tpu.enqueue_dma source(%arg9 : memref<5x4x1024xf32, #tpu.memory_space<vmem>>) target(%dma_start3A_217 : memref<5x4x1024xf32, #tpu.memory_space<hbm>>) target_semaphore(%arg17 : memref<!tpu.dma_semaphore, #tpu.memory_space<semaphore_mem>>)
    %dma_wait3A_218 = arith.constant 0 : i32
    %dma_wait3A_219 = arith.constant 0 : i32
    %dma_wait3A_220 = tpu.memref_slice %arg4[%add3A_149, %dma_wait3A_218, %dma_wait3A_219] : memref<1228x4x1024xf32, #tpu.memory_space<hbm>> -> memref<5x4x1024xf32, #tpu.memory_space<hbm>>
    %dma_wait3A_221 = arith.constant 0 : i32
    %dma_wait3A_222 = arith.constant 0 : i32
    %dma_wait3A_223 = tpu.memref_slice %arg4[%add3A_149, %dma_wait3A_221, %dma_wait3A_222] : memref<1228x4x1024xf32, #tpu.memory_space<hbm>> -> memref<5x4x1024xf32, #tpu.memory_space<hbm>>
    tpu.wait_dma2 semaphore(%arg14 : memref<!tpu.dma_semaphore, #tpu.memory_space<semaphore_mem>>) src(%arg6 : memref<5x4x1024xf32, #tpu.memory_space<vmem>>) dst(%dma_wait3A_223 : memref<5x4x1024xf32, #tpu.memory_space<hbm>>)
    %dma_wait3A_224 = arith.constant 0 : i32
    %dma_wait3A_225 = arith.constant 0 : i32
    %dma_wait3A_226 = tpu.memref_slice %arg4[%add3A_179, %dma_wait3A_224, %dma_wait3A_225] : memref<1228x4x1024xf32, #tpu.memory_space<hbm>> -> memref<5x4x1024xf32, #tpu.memory_space<hbm>>
    %dma_wait3A_227 = arith.constant 0 : i32
    %dma_wait3A_228 = arith.constant 0 : i32
    %dma_wait3A_229 = tpu.memref_slice %arg4[%add3A_179, %dma_wait3A_227, %dma_wait3A_228] : memref<1228x4x1024xf32, #tpu.memory_space<hbm>> -> memref<5x4x1024xf32, #tpu.memory_space<hbm>>
    tpu.wait_dma2 semaphore(%arg15 : memref<!tpu.dma_semaphore, #tpu.memory_space<semaphore_mem>>) src(%arg7 : memref<5x4x1024xf32, #tpu.memory_space<vmem>>) dst(%dma_wait3A_229 : memref<5x4x1024xf32, #tpu.memory_space<hbm>>)
    %dma_wait3A_230 = arith.constant 0 : i32
    %dma_wait3A_231 = arith.constant 0 : i32
    %dma_wait3A_232 = tpu.memref_slice %arg4[%add3A_195, %dma_wait3A_230, %dma_wait3A_231] : memref<1228x4x1024xf32, #tpu.memory_space<hbm>> -> memref<5x4x1024xf32, #tpu.memory_space<hbm>>
    %dma_wait3A_233 = arith.constant 0 : i32
    %dma_wait3A_234 = arith.constant 0 : i32
    %dma_wait3A_235 = tpu.memref_slice %arg4[%add3A_195, %dma_wait3A_233, %dma_wait3A_234] : memref<1228x4x1024xf32, #tpu.memory_space<hbm>> -> memref<5x4x1024xf32, #tpu.memory_space<hbm>>
    tpu.wait_dma2 semaphore(%arg16 : memref<!tpu.dma_semaphore, #tpu.memory_space<semaphore_mem>>) src(%arg8 : memref<5x4x1024xf32, #tpu.memory_space<vmem>>) dst(%dma_wait3A_235 : memref<5x4x1024xf32, #tpu.memory_space<hbm>>)
    %dma_wait3A_236 = arith.constant 0 : i32
    %dma_wait3A_237 = arith.constant 0 : i32
    %dma_wait3A_238 = tpu.memref_slice %arg4[%add3A_211, %dma_wait3A_236, %dma_wait3A_237] : memref<1228x4x1024xf32, #tpu.memory_space<hbm>> -> memref<5x4x1024xf32, #tpu.memory_space<hbm>>
    %dma_wait3A_239 = arith.constant 0 : i32
    %dma_wait3A_240 = arith.constant 0 : i32
    %dma_wait3A_241 = tpu.memref_slice %arg4[%add3A_211, %dma_wait3A_239, %dma_wait3A_240] : memref<1228x4x1024xf32, #tpu.memory_space<hbm>> -> memref<5x4x1024xf32, #tpu.memory_space<hbm>>
    tpu.wait_dma2 semaphore(%arg17 : memref<!tpu.dma_semaphore, #tpu.memory_space<semaphore_mem>>) src(%arg9 : memref<5x4x1024xf32, #tpu.memory_space<vmem>>) dst(%dma_wait3A_241 : memref<5x4x1024xf32, #tpu.memory_space<hbm>>)
    return
  }
}

</mosaic_0001>

<sc_bundles>
// kernel: kernel.3.cloned.1.call-start
scs
__scs_entry_jumppad:
0x0: {  	(pc) =	sbr.rel $0x88, $3  }
0x1: {  	(tag) =	ssettag $0x0;
	lr =	simm.s32 $0x1  }
0x2: {  	[smem:$0x3F9F] =	sst lr;
	_ =	strace $0xD0000000  }
0x3: {  	_ = 	snop  }
0x4: {  	_ = 	snop  }
0x5: {  	_ = 	snop  }
0x6: {  	_ = 	snop  }
0x7: {  	_ = 	snop  }
__scs_overlays_trampoline_lowered:
0x8: {  	[smem:$0x3FAE] =	sst s0  }
0x9: {  	[smem:$0x3FAF] =	sst s1  }
0xa: {  	[smem:$0x3FB0] =	sst s2  }
0xb: {  	[smem:$0x3FB1] =	sst s3  }
0xc: {  	[smem:$0x3FB2] =	sst s4  }
0xd: {  	[smem:$0x3FB3] =	sst s5  }
0xe: {  	[smem:$0x3FB4] =	sst s6  }
0xf: {  	[smem:$0x3FB5] =	sst s7  }
0x10: {  	[smem:$0x3FB6] =	sst s8  }
0x11: {  	[smem:$0x3FB7] =	sst s9;
	s0 =	simm.s32 @!p0 $0x0  }
0x12: {  	s1 =	sld [smem:$0x3F9D];
	s0 =	simm.s32 @p0 $0x1  }
0x13: {  	[smem:$0x3FB8] =	sst s0;
	s0 =	simm.s32 @!p1 $0x0  }
0x14: {  	s2 =	sld [smem:$0x3F9C];
	s0 =	simm.s32 @p1 $0x1  }
0x15: {  	[smem:$0x3FB9] =	sst s0;
	s0 =	simm.s32 @!p2 $0x0  }
0x16: {  	s3 =	sld [smem:$0x3FDB];
	s0 =	simm.s32 @p2 $0x1  }
0x17: {  	s4 =	simm.s32 $0x1BF5;
	[smem:$0x3FBB] =	sst s0  }
0x18: {  	s0 =	sld [smem:$0x3F9E];
	_ =	swait.ge [sflag:s4], $0x0  }
0x19: {  	s7 =	sld [smem:$0x3F9F]  }
0x1a: {  	s8 =	sadd.s32 $0xFFFFE003, lr  }
0x1b: {  	s9 =	sadd.s32 $0xFFFFFEF7, lr;
	s5 =	simm.s32 $0xFFFFFFFF;
	p2 =	slt.u32 s8, $0xFFFFF086  }
0x1c: {  	p1 =	slt.u32 s9, $0xF7A;
	s5 =	simm.s32 @!p2 $0x0  }
0x1d: {  	s5 =	simm.s32 @p1 $0x1;
	p0 =	seq.s32 s7, s2  }
0x1e: {  	s7 =	smul.u32 @!p0 $0xF7A, s2;
	p2 =	seq.s32 @!p0 s5, $0x0  }
0x1f: {  	s9 =	smul.u32 $0xF7A, s1;
	s8 =	simm.s32 @!p0 $0x1BF5;
	p2 =	por !p2, p0  }
0x20: {  	[sflag:s8] =	ssyncset.s32 @!p0 $0xFFFFF086;
	s6 =	sadd.s32 @!p0 s3, s7;
	s7 =	simm.s32 @!p0 $0x108  }
0x21: {  	s3 =	sadd.s32 s3, s9;
	s6 =	sadd.s32 @!p0 $0x88, s6;
	s7 =	simm.s32 @p2 $0x1082  }
0x22: {  	[simem:s7], [sflag:s8] =	dma.local @!p0 [hbm:s6], $0xF7A  }
0x23: {  	s9 =	sor.u32 $0xD0000000, s2;
	s6 =	simm.s32 $0x108;
	_ =	swait.ge @!p0 [sflag:s8], $0x0  }
0x24: {  	s3 =	sadd.s32 $0x88, s3;
	s6 =	simm.s32 @!p1 $0x1082;
	[sflag:s4] =	ssyncset.s32 $0xFFFFF086  }
0x25: {  	[simem:s6], [sflag:s4] =	dma.local [hbm:s3], $0xF7A  }
0x26: {  	[smem:$0x3F9F] =	sst s1;
	(tag) =	ssettag s2;
	_ =	strace s9  }
0x27: {  	s1 =	sld [smem:$0x3FAF]  }
0x28: {  	s2 =	sld [smem:$0x3FB0]  }
0x29: {  	s4 =	sld [smem:$0x3FB2]  }
0x2a: {  	p0 =	seq.s32 s5, $0x0;
	s5 =	sld [smem:$0x3FB3]  }
0x2b: {  	s6 =	sld [smem:$0x3FB4]  }
0x2c: {  	s7 =	sld [smem:$0x3FB5]  }
0x2d: {  	s3 =	simm.s32 $0x108;
	s8 =	sld [smem:$0x3FB6]  }
0x2e: {  	s3 =	simm.s32 @!p0 $0x1082;
	s9 =	sld [smem:$0x3FB7]  }
0x2f: {  	lr =	sadd.s32 s0, s3;
	s0 =	sld [smem:$0x3FAE]  }
0x30: {  	s3 =	sld [smem:$0x3FB1]  }
0x31: {  	[smem:$0x3FBA] =	sst s10  }
0x32: {  	s10 =	sld [smem:$0x3FB8];
	_ =	sdelay $0x3  }
0x33: {  	p0 =	seq.s32 s10, $0x1;
	s10 =	sld [smem:$0x3FBA];
	_ =	sdelay $0x3  }
0x34: {  	[smem:$0x3FBA] =	sst s10  }
0x35: {  	s10 =	sld [smem:$0x3FB9];
	_ =	sdelay $0x3  }
0x36: {  	p1 =	seq.s32 s10, $0x1;
	s10 =	sld [smem:$0x3FBA];
	_ =	sdelay $0x3  }
0x37: {  	[smem:$0x3FBA] =	sst s10  }
0x38: {  	s10 =	sld [smem:$0x3FBB]  }
0x39: {  	_ = 	snop;
	(pc) =	sbr.ind lr, $3  }
0x3a: {  	_ = 	snop  }
0x3b: {  	_ = 	snop  }
0x3c: {  	p2 =	seq.s32 s10, $0x1;
	s10 =	sld [smem:$0x3FBA]  }
0x3d: {  	_ =	shalt  }
0x3e: {  	_ =	shalt  }
0x3f: {  	_ =	shalt  }
0x40: {  	_ =	shalt  }
0x41: {  	_ =	shalt  }
0x42: {  	_ =	shalt  }
0x43: {  	_ =	shalt  }
0x44: {  	_ =	shalt  }
0x45: {  	_ =	shalt  }
0x46: {  	_ =	shalt  }
0x47: {  	_ =	shalt  }
0x48: {  	_ =	shalt  }
0x49: {  	_ =	shalt  }
0x4a: {  	_ =	shalt  }
0x4b: {  	_ =	shalt  }
0x4c: {  	_ =	shalt  }
0x4d: {  	_ =	shalt  }
0x4e: {  	_ =	shalt  }
0x4f: {  	_ =	shalt  }
0x50: {  	_ =	shalt  }
0x51: {  	_ =	shalt  }
0x52: {  	_ =	shalt  }
0x53: {  	_ =	shalt  }
0x54: {  	_ =	shalt  }
0x55: {  	_ =	shalt  }
0x56: {  	_ =	shalt  }
0x57: {  	_ =	shalt  }
0x58: {  	_ =	shalt  }
0x59: {  	_ =	shalt  }
0x5a: {  	_ =	shalt  }
0x5b: {  	_ =	shalt  }
0x5c: {  	_ =	shalt  }
0x5d: {  	_ =	shalt  }
0x5e: {  	_ =	shalt  }
0x5f: {  	_ =	shalt  }
0x60: {  	_ =	shalt  }
0x61: {  	_ =	shalt  }
0x62: {  	_ =	shalt  }
0x63: {  	_ =	shalt  }
0x64: {  	_ =	shalt  }
0x65: {  	_ =	shalt  }
0x66: {  	_ =	shalt  }
0x67: {  	_ =	shalt  }
0x68: {  	_ =	shalt  }
0x69: {  	_ =	shalt  }
0x6a: {  	_ =	shalt  }
0x6b: {  	_ =	shalt  }
0x6c: {  	_ =	shalt  }
0x6d: {  	_ =	shalt  }
0x6e: {  	_ =	shalt  }
0x6f: {  	_ =	shalt  }
0x70: {  	_ =	shalt  }
0x71: {  	_ =	shalt  }
0x72: {  	_ =	shalt  }
0x73: {  	_ =	shalt  }
0x74: {  	_ =	shalt  }
0x75: {  	_ =	shalt  }
0x76: {  	_ =	shalt  }
0x77: {  	_ =	shalt  }
0x78: {  	_ =	shalt  }
0x79: {  	_ =	shalt  }
0x7a: {  	_ =	shalt  }
0x7b: {  	_ =	shalt  }
0x7c: {  	_ =	shalt  }
0x7d: {  	_ =	shalt  }
0x7e: {  	_ =	shalt  }
0x7f: {  	_ =	shalt  }
0x80: {  	_ =	shalt  }
0x81: {  	_ =	shalt  }
0x82: {  	_ =	shalt  }
0x83: {  	_ =	shalt  }
0x84: {  	_ =	shalt  }
0x85: {  	_ =	shalt  }
0x86: {  	_ =	shalt  }
0x87: {  	_ =	shalt  }
.Lfunc_end0:
.L_simem_size_0:
called_computation_lowered:
.L_overlay_start_0:
0x88: {  	s2 =	sld [smem:$0x3FD9]  }
0x89: {  	s3 =	sld [smem:$0x3FFE];
	_ =	sdelay $0x1  }
0x8a: {  	s1 =	srdreg.scid  }
0x8b: {  	s0 =	sand.u32 $0x1, s1  }
0x8c: {  	s17 =	sshll.u32 s0, $0xA;
	s2 =	sadd.s32 s3, s2  }
0x8d: {  	s2 =	sadd.s32 s2, s17  }
0x8e: {  	[smem:$0x3FC6] =	sst s2  }
0x8f: {  	_ = 	snop  }
0x90: {  	s2 =	sld [smem:$0x3FC9]  }
0x91: {  	s18 =	sld [smem:$0x3FD0];
	(tm) =	ssettm $0x1  }
0x92: {  	s4 =	sld [smem:$0x3FFB];
	_ =	sdelay $0x3  }
0x93: {  	_ =	strace s4  }
0x94: {  	s4 =	sld [smem:$0x3FFC];
	_ =	sdelay $0x3  }
0x95: {  	_ =	strace s4  }
0x96: {  	s4 =	sld [smem:$0x3FFD];
	_ =	sdelay $0x3  }
0x97: {  	_ =	strace s4  }
0x98: {  	_ =	strace $0x8FFFFFFF  }
0x99: {  	s19 =	sld [smem:$0x3FDB];
	_ =	sdelay $0x1  }
0x9a: {  	s5 =	simm.s32 $_scs_section_size  }
0x9b: {  	s6 =	simm.s32 $_size__tile_overlayer_lowered;
	s7 =	simm.s32 $_tile_overlayer_lowered  }
0x9c: {  	s22 =	simm.s32 $0x1BFF;
	s21 =	sshll.u32 s7, $0x1;
	s4 =	sadd.s32 s5, s19  }
0x9d: {  	s8 =	simm.s32 $0x0;
	s20 =	sshll.u32 s6, $0x1;
	s6 =	sadd.s32 s21, s4  }
0x9e: {  	[timem:s8], [sflag:s22] =	dma.local [hbm:s6], s20  }
0x9f: {  	_ =	swait.ge [sflag:s22], s20  }
0xa0: {  	s5 =	ssub.s32 $0x0, s20;
	[sflag:s22] =	ssyncset.done $0x0  }
0xa1: {  	[sflag:s22] =	ssyncadd.s32 s5;
	_ =	sdelay $0x1  }
0xa2: {  	s23 =	simm.s32 $0x1B8B  }
0xa3: {  	_ =	swait.ge [sflag:s23], $0x1  }
0xa4: {  	[sflag:s23] =	ssyncset.done $0x0  }
0xa5: {  	s25 =	simm.s32 $0x1B8E;
	s24 =	sld [smem:$0x3FFE];
	[sflag:s23] =	ssyncadd.s32 $0xFFFFFFFF  }
0xa6: {  	s26 =	simm.s32 $execute0_lowered;
	[smem:$0x3FD2] =	sst s25  }
0xa7: {  	s6 =	sshll.u32 s26, $0x1;
	_ =	strace $0x80000046;
	[dreg:$0x1] =	wrdreg $0xFFFFFFFF  }
0xa8: {  	s28 =	simm.s32 $_size_execute0_lowered;
	s4 =	sadd.s32 s4, s6;
	[dreg:$0x0] =	wrdreg $0x0  }
0xa9: {  	s6 =	sshll.u32 s28, $0x1;
	[dreg:$0x2] =	wrdreg s4  }
0xaa: {  	[dreg:$0x3] =	wrdreg s6  }
0xab: {  	[dreg:$0x4] =	wrdreg $0xC0  }
0xac: {  	_ =	task [dreg:s8], $0x5FFFF  }
0xad: {  	[dreg:$0x1] =	wrdreg $0xFFFFFFFF  }
0xae: {  	[dreg:$0x0] =	wrdreg $0x60  }
0xaf: {  	[dreg:$0x2] =	wrdreg s2  }
0xb0: {  	[dreg:$0x3] =	wrdreg s24  }
0xb1: {  	[dreg:$0x4] =	wrdreg s18  }
0xb2: {  	[dreg:$0x5] =	wrdreg $0x9  }
0xb3: {  	_ =	task.clear_ibuf [dreg:s8], $0x6FFFF;
	_ =	strace $0x90000046  }
0xb4: {  	s29 =	simm.s32 $0x9;
	_ =	strace $0x80000048  }
0xb5: {  	_ =	swait.ge [sflag:s29], $0x1  }
0xb6: {  	[sflag:s29] =	ssyncadd.s32 $0xFFFFFFFF  }
0xb7: {  	_ =	strace $0x90000048  }
0xb8: {  	_ =	sfence  }
0xb9: {  	s30 =	sld [smem:$0x0];
	_ =	sdelay $0x2  }
0xba: {  	s31 =	sshll.u32 s1, $0xD;
	s1 =	sshrl.u32 s1, $0x2  }
0xbb: {  	s3 =	sand.u32 $0x4000, s31;
	s1 =	sadd.s32 s1, s30  }
0xbc: {  	s0 =	sor.u32 s3, s0;
	s1 =	sshll.u32 s1, $0x11  }
0xbd: {  	s0 =	sor.u32 s1, s0  }
0xbe: {  	s0 =	sadd.s32 $0x8F2B, s0  }
0xbf: {  	[sflag:s0] =	ssyncadd.remote.s32 $0x1  }
0xc0: {  	_ =	sfence.sel $0xFFFF  }
0xc1: {  	[dreg:$0x0] =	wrdreg $0xFFFFFFFF;
	(pc) =	sbr.abs _section_cstart, $3  }
0xc2: {  	[dreg:$0x1] =	wrdreg $0xFFFFFFFF  }
0xc3: {  	_ =	task.clear_ibuf [dreg:s8], $0x2FFFF;
	_ =	strace $0x9FFFFFFF  }
0xc4: {  	(tm) =	ssettm $0x7FFFFFFF  }
0xc5: {  	_ =	shalt  }
tec
execute0_lowered:
.L_overlay_start_1:
0x0: {  	(tag) =	ssettag $0x1  }
0x1: {  	s1 =	rddreg [dreg:$0x0]  }
0x2: {  	s0 =	srdreg.scid;
	s4 =	rddreg [dreg:$0x1]  }
0x3: {  	s2 =	stileid.u32;
	s5 =	rddreg [dreg:$0x2]  }
0x4: {  	s3 =	simm.s32 $0x0;
	s9 =	simm.s32 $0x8;
	s13 =	simm.s32 $0x1C00  }
0x5: {  	s16 =	simm.s32 $0x2400;
	s0 =	sand.u32 $0x1, s0;
	s2 =	sshll.u32 s2, $0x1  }
0x6: {  	s17 =	simm.s32 $0x2C00;
	s29 =	simm.s32 $0x5400;
	s2 =	sor.u32 s0, s2  }
0x7: {  	s15 =	simm.s32 $0x8C00;
	s14 =	simm.s32 $0x9400;
	s6 =	smul.u32 $0x28, s2  }
0x8: {  	s28 =	simm.s32 $0xA400;
	s30 =	simm.s32 $0x1;
	s2 =	sshll.u32 s2, $0x7  }
0x9: {  	s31 =	simm.s32 $0xF400;
	s2 =	sadd.s32 s2, s4;
	s6 =	smin.u32 s6, $0x4A4  }
0xa: {  	[smem:$0x7FF] =	sst s3;
	s2 =	sadd.s32 $0x400, s2;
	s18 =	sshll.u32 s6, $0x9  }
0xb: {  	_ =	strace $0x80000047;
	[dreg:$0x4] =	wrdreg s2;
	s4 =	sadd.s32 s5, s18  }
0xc: {  	s0 =	ssub.s32 $0x2, s0;
	s19 =	sadd.s32 $0xA00, s4;
	[dreg:$0xc] =	wrdreg s4  }
0xd: {  	s23 =	sshrl.u32 s0, $0x1;
	s20 =	sadd.s32 $0x1400, s4;
	[dreg:$0x5] =	wrdreg s19  }
0xe: {  	s0 =	ssub.s32 s0, s23;
	s21 =	sadd.s32 $0x1E00, s4;
	[dreg:$0x6] =	wrdreg s20  }
0xf: {  	s23 =	simm.s32 $0x5C00;
	s22 =	sadd.s32 $0x2800, s4;
	[dreg:$0x7] =	wrdreg s21  }
0x10: {  	s6 =	smax.u32 s0, $0x1;
	s24 =	sadd.s32 $0x3200, s4;
	[dreg:$0x8] =	wrdreg s22  }
0x11: {  	s2 =	simm.s32 $0x2;
	s25 =	sadd.s32 $0x3C00, s4;
	[dreg:$0x9] =	wrdreg s24  }
0x12: {  	s5 =	sadd.s32 $0x200, s1;
	s26 =	sadd.s32 $0x4600, s4;
	[dreg:$0xa] =	wrdreg s25  }
0x13: {  	v4 =	vlaneseq.u32;
	vm0 =	vmmov $0xffff;
	s18 =	simm.s32 $0x400;
	[dreg:$0xb] =	wrdreg s26;
	s19 =	simm.s32 $0x3400  }
0x14: {  	v1 =	vshrl.u32 v4, $0x2;
	v0 =	vand.u32 $0x3, v4;
	v4 =	vor.u32 $0xC, v4;
	s20 =	simm.s32 $0x3C00;
	s21 =	simm.s32 $0x4400;
	s22 =	simm.s32 $0x4C00  }
0x15: {  	v1 =	vmul.u32 $0x8, v1;
	v2 =	vor.u32 $0x4, v0;
	v3 =	vor.u32 $0x8, v0;
	s24 =	simm.s32 $0x6400;
	s25 =	simm.s32 $0x6C00;
	s26 =	simm.s32 $0x9C00  }
.LBB2_1:
0x16: {  	s10 =	rddreg [dreg:$0x4];
	s4 =	simm.s32 $0x9  }
0x17: {  	[tilespmem:s3], [sflag:$0x9] =	stream.linear.gather [hbm4b:s10+s3], $0x400, $0x38;
	[tilespmem:$0x14400] =	vst v63  }
0x18: {  	_ =	swait.ge [sflag:s4], $0x400  }
0x19: {  	[sflag:s4] =	ssyncset.done $0x0  }
0x1a: {  	[sflag:s4] =	ssyncadd.s32 $0xFFFFFC00  }
0x1b: {  	v5 =	vld [tilespmem:$0x0];
	_ =	sdelay $0x4  }
0x1c: {  	v6 =	vshll.u32 v5, $0x3  }
0x1d: {  	v5 =	vand.u32 $0x7, v5;
	v6 =	vand.u32 $0xFFFFFFC0, v6  }
0x1e: {  	v5 =	vor.u32 v5, v6  }
0x1f: {  	v6 =	vperm.xlane v5, v0;
	_ =	sdelay $0x1  }
0x20: {  	v6 =	vadd.s32 v1, v6;
	_ =	sdelay $0x1  }
0x21: {  	v7 =	vperm.xlane v5, v2;
	_ =	sdelay $0x1  }
0x22: {  	v7 =	vadd.s32 v1, v7  }
0x23: {  	[tilespmem:s18], [sflag:$0x1] =	stream.indirect_vreg.gather [hbm4b:s1+s3], $0x80, v6, vm0, $0xb8;
	[tilespmem:$0x14400] =	vst v63  }
0x24: {  	s11 =	simm.s32 $0xC00;
	v8 =	vperm.xlane v5, v3  }
0x25: {  	[tilespmem:s11], [sflag:$0x1] =	stream.indirect_vreg.gather [hbm4b:s5+s3], $0x80, v6, vm0, $0xb8;
	[tilespmem:$0x14400] =	vst v63  }
0x26: {  	s12 =	simm.s32 $0x1400;
	v6 =	vadd.s32 v1, v8  }
0x27: {  	[tilespmem:s12], [sflag:$0x1] =	stream.indirect_vreg.gather [hbm4b:s1+s3], $0x80, v7, vm0, $0xb8;
	[tilespmem:$0x14400] =	vst v63  }
0x28: {  	v5 =	vperm.xlane v5, v4  }
0x29: {  	[tilespmem:s13], [sflag:$0x1] =	stream.indirect_vreg.gather [hbm4b:s5+s3], $0x80, v7, vm0, $0xb8;
	[tilespmem:$0x14400] =	vst v63  }
0x2a: {  	v5 =	vadd.s32 v1, v5  }
0x2b: {  	[tilespmem:s16], [sflag:$0x1] =	stream.indirect_vreg.gather [hbm4b:s1+s3], $0x80, v6, vm0, $0xb8;
	[tilespmem:$0x14400] =	vst v63  }
0x2c: {  	_ = 	snop  }
0x2d: {  	[tilespmem:s17], [sflag:$0x1] =	stream.indirect_vreg.gather [hbm4b:s5+s3], $0x80, v6, vm0, $0xb8;
	[tilespmem:$0x14400] =	vst v63  }
0x2e: {  	_ = 	snop  }
0x2f: {  	[tilespmem:s19], [sflag:$0x1] =	stream.indirect_vreg.gather [hbm4b:s1+s3], $0x80, v5, vm0, $0xb8;
	[tilespmem:$0x14400] =	vst v63  }
0x30: {  	_ = 	snop  }
0x31: {  	[tilespmem:s20], [sflag:$0x1] =	stream.indirect_vreg.gather [hbm4b:s5+s3], $0x80, v5, vm0, $0xb8;
	[tilespmem:$0x14400] =	vst v63  }
0x32: {  	v5 =	vld.msk [tilespmem:$0x10], $0xf;
	_ =	sdelay $0x4  }
0x33: {  	v6 =	vshll.u32 v5, $0x3  }
0x34: {  	v5 =	vand.u32 $0x7, v5;
	v6 =	vand.u32 $0xFFFFFFC0, v6  }
0x35: {  	v5 =	vor.u32 v5, v6  }
0x36: {  	v5 =	vperm.xlane v5, v0;
	_ =	sdelay $0x1  }
0x37: {  	v5 =	vadd.s32 v1, v5;
	_ =	sdelay $0x4  }
0x38: {  	[tilespmem:s21], [sflag:$0x1] =	stream.indirect_vreg.gather [hbm4b:s1+s3], $0x80, v5, vm0, $0xb8;
	[tilespmem:$0x14400] =	vst v63  }
0x39: {  	_ = 	snop  }
0x3a: {  	[tilespmem:s22], [sflag:$0x1] =	stream.indirect_vreg.gather [hbm4b:s5+s3], $0x80, v5, vm0, $0xb8;
	[tilespmem:$0x14400] =	vst v63  }
0x3b: {  	v5 =	vld [tilespmem:$0x80];
	_ =	sdelay $0x4  }
0x3c: {  	v6 =	vshll.u32 v5, $0x3  }
0x3d: {  	v5 =	vand.u32 $0x7, v5;
	v6 =	vand.u32 $0xFFFFFFC0, v6  }
0x3e: {  	v5 =	vor.u32 v5, v6  }
0x3f: {  	v6 =	vperm.xlane v5, v0;
	_ =	sdelay $0x1  }
0x40: {  	v6 =	vadd.s32 v1, v6;
	_ =	sdelay $0x1  }
0x41: {  	v7 =	vperm.xlane v5, v2;
	_ =	sdelay $0x1  }
0x42: {  	v7 =	vadd.s32 v1, v7  }
0x43: {  	[tilespmem:s29], [sflag:$0x2] =	stream.indirect_vreg.gather [hbm4b:s1+s3], $0x80, v6, vm0, $0xb8;
	[tilespmem:$0x14400] =	vst v63  }
0x44: {  	v57 =	vperm.xlane v5, v3  }
0x45: {  	[tilespmem:s23], [sflag:$0x2] =	stream.indirect_vreg.gather [hbm4b:s5+s3], $0x80, v6, vm0, $0xb8;
	[tilespmem:$0x14400] =	vst v63  }
0x46: {  	v6 =	vadd.s32 v1, v57  }
0x47: {  	[tilespmem:s24], [sflag:$0x2] =	stream.indirect_vreg.gather [hbm4b:s1+s3], $0x80, v7, vm0, $0xb8;
	[tilespmem:$0x14400] =	vst v63  }
0x48: {  	v5 =	vperm.xlane v5, v4  }
0x49: {  	[tilespmem:s25], [sflag:$0x2] =	stream.indirect_vreg.gather [hbm4b:s5+s3], $0x80, v7, vm0, $0xb8;
	[tilespmem:$0x14400] =	vst v63  }
0x4a: {  	s4 =	simm.s32 $0x7400;
	v5 =	vadd.s32 v1, v5  }
0x4b: {  	[tilespmem:s4], [sflag:$0x2] =	stream.indirect_vreg.gather [hbm4b:s1+s3], $0x80, v6, vm0, $0xb8;
	[tilespmem:$0x14400] =	vst v63  }
0x4c: {  	s7 =	simm.s32 $0x7C00  }
0x4d: {  	[tilespmem:s7], [sflag:$0x2] =	stream.indirect_vreg.gather [hbm4b:s5+s3], $0x80, v6, vm0, $0xb8;
	[tilespmem:$0x14400] =	vst v63  }
0x4e: {  	s8 =	simm.s32 $0x8400  }
0x4f: {  	[tilespmem:s8], [sflag:$0x2] =	stream.indirect_vreg.gather [hbm4b:s1+s3], $0x80, v5, vm0, $0xb8;
	[tilespmem:$0x14400] =	vst v63  }
0x50: {  	_ = 	snop  }
0x51: {  	[tilespmem:s15], [sflag:$0x2] =	stream.indirect_vreg.gather [hbm4b:s5+s3], $0x80, v5, vm0, $0xb8;
	[tilespmem:$0x14400] =	vst v63  }
0x52: {  	v5 =	vld.msk [tilespmem:$0x90], $0xf;
	_ =	sdelay $0x4  }
0x53: {  	v6 =	vshll.u32 v5, $0x3  }
0x54: {  	v5 =	vand.u32 $0x7, v5;
	v6 =	vand.u32 $0xFFFFFFC0, v6  }
0x55: {  	v5 =	vor.u32 v5, v6  }
0x56: {  	v5 =	vperm.xlane v5, v0;
	_ =	sdelay $0x1  }
0x57: {  	v5 =	vadd.s32 v1, v5;
	_ =	sdelay $0x4  }
0x58: {  	[tilespmem:s14], [sflag:$0x2] =	stream.indirect_vreg.gather [hbm4b:s1+s3], $0x80, v5, vm0, $0xb8;
	[tilespmem:$0x14400] =	vst v63  }
0x59: {  	_ = 	snop  }
0x5a: {  	[tilespmem:s26], [sflag:$0x2] =	stream.indirect_vreg.gather [hbm4b:s5+s3], $0x80, v5, vm0, $0xb8;
	[tilespmem:$0x14400] =	vst v63  }
0x5b: {  	v5 =	vld [tilespmem:$0x100];
	_ =	sdelay $0x4  }
0x5c: {  	v6 =	vshll.u32 v5, $0x3  }
0x5d: {  	v5 =	vand.u32 $0x7, v5;
	v6 =	vand.u32 $0xFFFFFFC0, v6  }
0x5e: {  	v5 =	vor.u32 v5, v6  }
0x5f: {  	v6 =	vperm.xlane v5, v0;
	_ =	sdelay $0x1  }
0x60: {  	v6 =	vadd.s32 v1, v6;
	_ =	sdelay $0x1  }
0x61: {  	v7 =	vperm.xlane v5, v2;
	_ =	sdelay $0x1  }
0x62: {  	v7 =	vadd.s32 v1, v7  }
0x63: {  	[tilespmem:s28], [sflag:$0x3] =	stream.indirect_vreg.gather [hbm4b:s1+s3], $0x80, v6, vm0, $0xb8;
	[tilespmem:$0x14400] =	vst v63  }
0x64: {  	s0 =	simm.s32 $0xAC00;
	v58 =	vperm.xlane v5, v3  }
0x65: {  	[tilespmem:s0], [sflag:$0x3] =	stream.indirect_vreg.gather [hbm4b:s5+s3], $0x80, v6, vm0, $0xb8;
	[tilespmem:$0x14400] =	vst v63  }
0x66: {  	s10 =	simm.s32 $0xB400;
	v6 =	vadd.s32 v1, v58  }
0x67: {  	[tilespmem:s10], [sflag:$0x3] =	stream.indirect_vreg.gather [hbm4b:s1+s3], $0x80, v7, vm0, $0xb8;
	[tilespmem:$0x14400] =	vst v63  }
0x68: {  	v5 =	vperm.xlane v5, v4;
	s10 =	simm.s32 $0xBC00  }
0x69: {  	[tilespmem:s10], [sflag:$0x3] =	stream.indirect_vreg.gather [hbm4b:s5+s3], $0x80, v7, vm0, $0xb8;
	[tilespmem:$0x14400] =	vst v63  }
0x6a: {  	v5 =	vadd.s32 v1, v5;
	s10 =	simm.s32 $0xC400  }
0x6b: {  	[tilespmem:s10], [sflag:$0x3] =	stream.indirect_vreg.gather [hbm4b:s1+s3], $0x80, v6, vm0, $0xb8;
	[tilespmem:$0x14400] =	vst v63  }
0x6c: {  	s10 =	simm.s32 $0xCC00  }
0x6d: {  	[tilespmem:s10], [sflag:$0x3] =	stream.indirect_vreg.gather [hbm4b:s5+s3], $0x80, v6, vm0, $0xb8;
	[tilespmem:$0x14400] =	vst v63  }
0x6e: {  	s10 =	simm.s32 $0xD400  }
0x6f: {  	[tilespmem:s10], [sflag:$0x3] =	stream.indirect_vreg.gather [hbm4b:s1+s3], $0x80, v5, vm0, $0xb8;
	[tilespmem:$0x14400] =	vst v63  }
0x70: {  	s10 =	simm.s32 $0xDC00  }
0x71: {  	[tilespmem:s10], [sflag:$0x3] =	stream.indirect_vreg.gather [hbm4b:s5+s3], $0x80, v5, vm0, $0xb8;
	[tilespmem:$0x14400] =	vst v63  }
0x72: {  	v5 =	vld.msk [tilespmem:$0x110], $0xf;
	_ =	sdelay $0x4  }
0x73: {  	v6 =	vshll.u32 v5, $0x3  }
0x74: {  	v5 =	vand.u32 $0x7, v5;
	v6 =	vand.u32 $0xFFFFFFC0, v6  }
0x75: {  	v5 =	vor.u32 v5, v6  }
0x76: {  	v5 =	vperm.xlane v5, v0;
	_ =	sdelay $0x1  }
0x77: {  	v5 =	vadd.s32 v1, v5;
	_ =	sdelay $0x3  }
0x78: {  	s10 =	simm.s32 $0xE400  }
0x79: {  	[tilespmem:s10], [sflag:$0x3] =	stream.indirect_vreg.gather [hbm4b:s1+s3], $0x80, v5, vm0, $0xb8;
	[tilespmem:$0x14400] =	vst v63  }
0x7a: {  	s10 =	simm.s32 $0xEC00  }
0x7b: {  	[tilespmem:s10], [sflag:$0x3] =	stream.indirect_vreg.gather [hbm4b:s5+s3], $0x80, v5, vm0, $0xb8;
	[tilespmem:$0x14400] =	vst v63  }
0x7c: {  	_ =	swait.ge [sflag:s30], $0x5000  }
0x7d: {  	[sflag:s30] =	ssyncset.done $0x0  }
0x7e: {  	s0 =	rddreg [dreg:$0xc];
	[sflag:s30] =	ssyncadd.s32 $0xFFFFB000  }
0x7f: {  	[hbm4b:s0+s3] =	stream.linear.scatter [tilespmem:s18], [sflag:$0x5], $0x5000, $0x38;
	[tilespmem:$0x14400] =	vst v63  }
0x80: {  	v5 =	vld [tilespmem:$0x180];
	_ =	sdelay $0x4  }
0x81: {  	v6 =	vshll.u32 v5, $0x3  }
0x82: {  	v5 =	vand.u32 $0x7, v5;
	v6 =	vand.u32 $0xFFFFFFC0, v6  }
0x83: {  	v5 =	vor.u32 v5, v6  }
0x84: {  	v6 =	vperm.xlane v5, v0;
	_ =	sdelay $0x1  }
0x85: {  	v6 =	vadd.s32 v1, v6;
	_ =	sdelay $0x1  }
0x86: {  	v7 =	vperm.xlane v5, v2;
	_ =	sdelay $0x1  }
0x87: {  	v7 =	vadd.s32 v1, v7  }
0x88: {  	[tilespmem:s31], [sflag:$0x4] =	stream.indirect_vreg.gather [hbm4b:s1+s3], $0x80, v6, vm0, $0xb8;
	[tilespmem:$0x14400] =	vst v63  }
0x89: {  	s10 =	simm.s32 $0xFC00;
	v59 =	vperm.xlane v5, v3  }
0x8a: {  	[tilespmem:s10], [sflag:$0x4] =	stream.indirect_vreg.gather [hbm4b:s5+s3], $0x80, v6, vm0, $0xb8;
	[tilespmem:$0x14400] =	vst v63  }
0x8b: {  	v6 =	vadd.s32 v1, v59;
	s10 =	simm.s32 $0x10400  }
0x8c: {  	[tilespmem:s10], [sflag:$0x4] =	stream.indirect_vreg.gather [hbm4b:s1+s3], $0x80, v7, vm0, $0xb8;
	[tilespmem:$0x14400] =	vst v63  }
0x8d: {  	v5 =	vperm.xlane v5, v4;
	s10 =	simm.s32 $0x10C00  }
0x8e: {  	[tilespmem:s10], [sflag:$0x4] =	stream.indirect_vreg.gather [hbm4b:s5+s3], $0x80, v7, vm0, $0xb8;
	[tilespmem:$0x14400] =	vst v63  }
0x8f: {  	v5 =	vadd.s32 v1, v5;
	s10 =	simm.s32 $0x11400  }
0x90: {  	[tilespmem:s10], [sflag:$0x4] =	stream.indirect_vreg.gather [hbm4b:s1+s3], $0x80, v6, vm0, $0xb8;
	[tilespmem:$0x14400] =	vst v63  }
0x91: {  	s10 =	simm.s32 $0x11C00  }
0x92: {  	[tilespmem:s10], [sflag:$0x4] =	stream.indirect_vreg.gather [hbm4b:s5+s3], $0x80, v6, vm0, $0xb8;
	[tilespmem:$0x14400] =	vst v63  }
0x93: {  	s10 =	simm.s32 $0x12400  }
0x94: {  	[tilespmem:s10], [sflag:$0x4] =	stream.indirect_vreg.gather [hbm4b:s1+s3], $0x80, v5, vm0, $0xb8;
	[tilespmem:$0x14400] =	vst v63  }
0x95: {  	s10 =	simm.s32 $0x12C00  }
0x96: {  	[tilespmem:s10], [sflag:$0x4] =	stream.indirect_vreg.gather [hbm4b:s5+s3], $0x80, v5, vm0, $0xb8;
	[tilespmem:$0x14400] =	vst v63  }
0x97: {  	v5 =	vld.msk [tilespmem:$0x190], $0xf;
	_ =	sdelay $0x4  }
0x98: {  	v6 =	vshll.u32 v5, $0x3  }
0x99: {  	v5 =	vand.u32 $0x7, v5;
	v6 =	vand.u32 $0xFFFFFFC0, v6  }
0x9a: {  	v5 =	vor.u32 v5, v6  }
0x9b: {  	v5 =	vperm.xlane v5, v0;
	_ =	sdelay $0x1  }
0x9c: {  	v5 =	vadd.s32 v1, v5;
	_ =	sdelay $0x3  }
0x9d: {  	s10 =	simm.s32 $0x13400  }
0x9e: {  	[tilespmem:s10], [sflag:$0x4] =	stream.indirect_vreg.gather [hbm4b:s1+s3], $0x80, v5, vm0, $0xb8;
	[tilespmem:$0x14400] =	vst v63  }
0x9f: {  	s10 =	simm.s32 $0x13C00  }
0xa0: {  	[tilespmem:s10], [sflag:$0x4] =	stream.indirect_vreg.gather [hbm4b:s5+s3], $0x80, v5, vm0, $0xb8;
	[tilespmem:$0x14400] =	vst v63  }
0xa1: {  	_ =	swait.ge [sflag:s2], $0x5000  }
0xa2: {  	[sflag:s2] =	ssyncset.done $0x0  }
0xa3: {  	s0 =	rddreg [dreg:$0x5];
	[sflag:s2] =	ssyncadd.s32 $0xFFFFB000  }
0xa4: {  	[hbm4b:s0+s3] =	stream.linear.scatter [tilespmem:s29], [sflag:$0x6], $0x5000, $0x38;
	[tilespmem:$0x14400] =	vst v63  }
0xa5: {  	s0 =	simm.s32 $0x5  }
0xa6: {  	_ =	swait.ge [sflag:s0], $0x5000  }
0xa7: {  	[sflag:s0] =	ssyncset.done $0x0  }
0xa8: {  	[sflag:s0] =	ssyncadd.s32 $0xFFFFB000  }
0xa9: {  	v5 =	vld [tilespmem:$0x200];
	_ =	sdelay $0x4  }
0xaa: {  	v6 =	vshll.u32 v5, $0x3  }
0xab: {  	v5 =	vand.u32 $0x7, v5;
	v6 =	vand.u32 $0xFFFFFFC0, v6  }
0xac: {  	v5 =	vor.u32 v5, v6  }
0xad: {  	v6 =	vperm.xlane v5, v0;
	_ =	sdelay $0x1  }
0xae: {  	v6 =	vadd.s32 v1, v6;
	_ =	sdelay $0x1  }
0xaf: {  	v7 =	vperm.xlane v5, v2;
	_ =	sdelay $0x1  }
0xb0: {  	v7 =	vadd.s32 v1, v7  }
0xb1: {  	[tilespmem:s18], [sflag:$0x1] =	stream.indirect_vreg.gather [hbm4b:s1+s3], $0x80, v6, vm0, $0xb8;
	[tilespmem:$0x14400] =	vst v63  }
0xb2: {  	v60 =	vperm.xlane v5, v3  }
0xb3: {  	[tilespmem:s11], [sflag:$0x1] =	stream.indirect_vreg.gather [hbm4b:s5+s3], $0x80, v6, vm0, $0xb8;
	[tilespmem:$0x14400] =	vst v63  }
0xb4: {  	v6 =	vadd.s32 v1, v60  }
0xb5: {  	[tilespmem:s12], [sflag:$0x1] =	stream.indirect_vreg.gather [hbm4b:s1+s3], $0x80, v7, vm0, $0xb8;
	[tilespmem:$0x14400] =	vst v63  }
0xb6: {  	v5 =	vperm.xlane v5, v4  }
0xb7: {  	[tilespmem:s13], [sflag:$0x1] =	stream.indirect_vreg.gather [hbm4b:s5+s3], $0x80, v7, vm0, $0xb8;
	[tilespmem:$0x14400] =	vst v63  }
0xb8: {  	v5 =	vadd.s32 v1, v5  }
0xb9: {  	[tilespmem:s16], [sflag:$0x1] =	stream.indirect_vreg.gather [hbm4b:s1+s3], $0x80, v6, vm0, $0xb8;
	[tilespmem:$0x14400] =	vst v63  }
0xba: {  	_ = 	snop  }
0xbb: {  	[tilespmem:s17], [sflag:$0x1] =	stream.indirect_vreg.gather [hbm4b:s5+s3], $0x80, v6, vm0, $0xb8;
	[tilespmem:$0x14400] =	vst v63  }
0xbc: {  	_ = 	snop  }
0xbd: {  	[tilespmem:s19], [sflag:$0x1] =	stream.indirect_vreg.gather [hbm4b:s1+s3], $0x80, v5, vm0, $0xb8;
	[tilespmem:$0x14400] =	vst v63  }
0xbe: {  	_ = 	snop  }
0xbf: {  	[tilespmem:s20], [sflag:$0x1] =	stream.indirect_vreg.gather [hbm4b:s5+s3], $0x80, v5, vm0, $0xb8;
	[tilespmem:$0x14400] =	vst v63  }
0xc0: {  	v5 =	vld.msk [tilespmem:$0x210], $0xf;
	_ =	sdelay $0x4  }
0xc1: {  	v6 =	vshll.u32 v5, $0x3  }
0xc2: {  	v5 =	vand.u32 $0x7, v5;
	v6 =	vand.u32 $0xFFFFFFC0, v6  }
0xc3: {  	v5 =	vor.u32 v5, v6  }
0xc4: {  	v5 =	vperm.xlane v5, v0;
	_ =	sdelay $0x1  }
0xc5: {  	v5 =	vadd.s32 v1, v5;
	_ =	sdelay $0x4  }
0xc6: {  	[tilespmem:s21], [sflag:$0x1] =	stream.indirect_vreg.gather [hbm4b:s1+s3], $0x80, v5, vm0, $0xb8;
	[tilespmem:$0x14400] =	vst v63  }
0xc7: {  	s11 =	simm.s32 $0x3  }
0xc8: {  	[tilespmem:s22], [sflag:$0x1] =	stream.indirect_vreg.gather [hbm4b:s5+s3], $0x80, v5, vm0, $0xb8;
	[tilespmem:$0x14400] =	vst v63  }
0xc9: {  	_ =	swait.ge [sflag:s11], $0x5000  }
0xca: {  	[sflag:s11] =	ssyncset.done $0x0  }
0xcb: {  	s12 =	rddreg [dreg:$0x6];
	[sflag:s11] =	ssyncadd.s32 $0xFFFFB000  }
0xcc: {  	[hbm4b:s12+s3] =	stream.linear.scatter [tilespmem:s28], [sflag:$0x7], $0x5000, $0x38;
	[tilespmem:$0x14400] =	vst v63  }
0xcd: {  	s12 =	simm.s32 $0x6  }
0xce: {  	_ =	swait.ge [sflag:s12], $0x5000  }
0xcf: {  	[sflag:s12] =	ssyncset.done $0x0  }
0xd0: {  	[sflag:s12] =	ssyncadd.s32 $0xFFFFB000  }
0xd1: {  	v5 =	vld [tilespmem:$0x280];
	_ =	sdelay $0x4  }
0xd2: {  	v6 =	vshll.u32 v5, $0x3  }
0xd3: {  	v5 =	vand.u32 $0x7, v5;
	v6 =	vand.u32 $0xFFFFFFC0, v6  }
0xd4: {  	v5 =	vor.u32 v5, v6  }
0xd5: {  	v6 =	vperm.xlane v5, v0;
	_ =	sdelay $0x1  }
0xd6: {  	v6 =	vadd.s32 v1, v6;
	_ =	sdelay $0x1  }
0xd7: {  	v7 =	vperm.xlane v5, v2;
	_ =	sdelay $0x1  }
0xd8: {  	v7 =	vadd.s32 v1, v7  }
0xd9: {  	[tilespmem:s29], [sflag:$0x2] =	stream.indirect_vreg.gather [hbm4b:s1+s3], $0x80, v6, vm0, $0xb8;
	[tilespmem:$0x14400] =	vst v63  }
0xda: {  	v61 =	vperm.xlane v5, v3  }
0xdb: {  	[tilespmem:s23], [sflag:$0x2] =	stream.indirect_vreg.gather [hbm4b:s5+s3], $0x80, v6, vm0, $0xb8;
	[tilespmem:$0x14400] =	vst v63  }
0xdc: {  	v6 =	vadd.s32 v1, v61  }
0xdd: {  	[tilespmem:s24], [sflag:$0x2] =	stream.indirect_vreg.gather [hbm4b:s1+s3], $0x80, v7, vm0, $0xb8;
	[tilespmem:$0x14400] =	vst v63  }
0xde: {  	v5 =	vperm.xlane v5, v4  }
0xdf: {  	[tilespmem:s25], [sflag:$0x2] =	stream.indirect_vreg.gather [hbm4b:s5+s3], $0x80, v7, vm0, $0xb8;
	[tilespmem:$0x14400] =	vst v63  }
0xe0: {  	v5 =	vadd.s32 v1, v5  }
0xe1: {  	[tilespmem:s4], [sflag:$0x2] =	stream.indirect_vreg.gather [hbm4b:s1+s3], $0x80, v6, vm0, $0xb8;
	[tilespmem:$0x14400] =	vst v63  }
0xe2: {  	_ = 	snop  }
0xe3: {  	[tilespmem:s7], [sflag:$0x2] =	stream.indirect_vreg.gather [hbm4b:s5+s3], $0x80, v6, vm0, $0xb8;
	[tilespmem:$0x14400] =	vst v63  }
0xe4: {  	_ = 	snop  }
0xe5: {  	[tilespmem:s8], [sflag:$0x2] =	stream.indirect_vreg.gather [hbm4b:s1+s3], $0x80, v5, vm0, $0xb8;
	[tilespmem:$0x14400] =	vst v63  }
0xe6: {  	_ = 	snop  }
0xe7: {  	[tilespmem:s15], [sflag:$0x2] =	stream.indirect_vreg.gather [hbm4b:s5+s3], $0x80, v5, vm0, $0xb8;
	[tilespmem:$0x14400] =	vst v63  }
0xe8: {  	v5 =	vld.msk [tilespmem:$0x290], $0xf;
	_ =	sdelay $0x4  }
0xe9: {  	v6 =	vshll.u32 v5, $0x3  }
0xea: {  	v5 =	vand.u32 $0x7, v5;
	v6 =	vand.u32 $0xFFFFFFC0, v6  }
0xeb: {  	v5 =	vor.u32 v5, v6  }
0xec: {  	v5 =	vperm.xlane v5, v0;
	_ =	sdelay $0x1  }
0xed: {  	v5 =	vadd.s32 v1, v5;
	_ =	sdelay $0x4  }
0xee: {  	[tilespmem:s14], [sflag:$0x2] =	stream.indirect_vreg.gather [hbm4b:s1+s3], $0x80, v5, vm0, $0xb8;
	[tilespmem:$0x14400] =	vst v63  }
0xef: {  	s4 =	simm.s32 $0x4  }
0xf0: {  	[tilespmem:s26], [sflag:$0x2] =	stream.indirect_vreg.gather [hbm4b:s5+s3], $0x80, v5, vm0, $0xb8;
	[tilespmem:$0x14400] =	vst v63  }
0xf1: {  	_ =	swait.ge [sflag:s4], $0x5000  }
0xf2: {  	[sflag:s4] =	ssyncset.done $0x0  }
0xf3: {  	s7 =	simm.s32 $0x7;
	s8 =	rddreg [dreg:$0x7];
	[sflag:s4] =	ssyncadd.s32 $0xFFFFB000  }
0xf4: {  	[hbm4b:s8+s3] =	stream.linear.scatter [tilespmem:s31], [sflag:$0x8], $0x5000, $0x38;
	[tilespmem:$0x14400] =	vst v63  }
0xf5: {  	_ =	swait.ge [sflag:s7], $0x5000  }
0xf6: {  	[sflag:s7] =	ssyncset.done $0x0  }
0xf7: {  	[sflag:s7] =	ssyncadd.s32 $0xFFFFB000  }
0xf8: {  	v5 =	vld [tilespmem:$0x300];
	_ =	sdelay $0x4  }
0xf9: {  	v6 =	vshll.u32 v5, $0x3  }
0xfa: {  	v5 =	vand.u32 $0x7, v5;
	v6 =	vand.u32 $0xFFFFFFC0, v6  }
0xfb: {  	v5 =	vor.u32 v5, v6  }
0xfc: {  	v6 =	vperm.xlane v5, v0;
	_ =	sdelay $0x1  }
0xfd: {  	v6 =	vadd.s32 v1, v6;
	_ =	sdelay $0x1  }
0xfe: {  	v7 =	vperm.xlane v5, v2;
	_ =	sdelay $0x1  }
0xff: {  	v7 =	vadd.s32 v1, v7  }
0x100: {  	[tilespmem:s28], [sflag:$0x3] =	stream.indirect_vreg.gather [hbm4b:s1+s3], $0x80, v6, vm0, $0xb8;
	[tilespmem:$0x14400] =	vst v63  }
0x101: {  	s10 =	simm.s32 $0xAC00;
	v62 =	vperm.xlane v5, v3  }
0x102: {  	[tilespmem:s10], [sflag:$0x3] =	stream.indirect_vreg.gather [hbm4b:s5+s3], $0x80, v6, vm0, $0xb8;
	[tilespmem:$0x14400] =	vst v63  }
0x103: {  	v6 =	vadd.s32 v1, v62;
	s10 =	simm.s32 $0xB400  }
0x104: {  	[tilespmem:s10], [sflag:$0x3] =	stream.indirect_vreg.gather [hbm4b:s1+s3], $0x80, v7, vm0, $0xb8;
	[tilespmem:$0x14400] =	vst v63  }
0x105: {  	v5 =	vperm.xlane v5, v4;
	s10 =	simm.s32 $0xBC00  }
0x106: {  	[tilespmem:s10], [sflag:$0x3] =	stream.indirect_vreg.gather [hbm4b:s5+s3], $0x80, v7, vm0, $0xb8;
	[tilespmem:$0x14400] =	vst v63  }
0x107: {  	v5 =	vadd.s32 v1, v5;
	s10 =	simm.s32 $0xC400  }
0x108: {  	[tilespmem:s10], [sflag:$0x3] =	stream.indirect_vreg.gather [hbm4b:s1+s3], $0x80, v6, vm0, $0xb8;
	[tilespmem:$0x14400] =	vst v63  }
0x109: {  	s10 =	simm.s32 $0xCC00  }
0x10a: {  	[tilespmem:s10], [sflag:$0x3] =	stream.indirect_vreg.gather [hbm4b:s5+s3], $0x80, v6, vm0, $0xb8;
	[tilespmem:$0x14400] =	vst v63  }
0x10b: {  	s10 =	simm.s32 $0xD400  }
0x10c: {  	[tilespmem:s10], [sflag:$0x3] =	stream.indirect_vreg.gather [hbm4b:s1+s3], $0x80, v5, vm0, $0xb8;
	[tilespmem:$0x14400] =	vst v63  }
0x10d: {  	s10 =	simm.s32 $0xDC00  }
0x10e: {  	[tilespmem:s10], [sflag:$0x3] =	stream.indirect_vreg.gather [hbm4b:s5+s3], $0x80, v5, vm0, $0xb8;
	[tilespmem:$0x14400] =	vst v63  }
0x10f: {  	v5 =	vld.msk [tilespmem:$0x310], $0xf;
	_ =	sdelay $0x4  }
0x110: {  	v6 =	vshll.u32 v5, $0x3  }
0x111: {  	v5 =	vand.u32 $0x7, v5;
	v6 =	vand.u32 $0xFFFFFFC0, v6  }
0x112: {  	v5 =	vor.u32 v5, v6  }
0x113: {  	v5 =	vperm.xlane v5, v0;
	_ =	sdelay $0x1  }
0x114: {  	v5 =	vadd.s32 v1, v5;
	_ =	sdelay $0x3  }
0x115: {  	s10 =	simm.s32 $0xE400  }
0x116: {  	[tilespmem:s10], [sflag:$0x3] =	stream.indirect_vreg.gather [hbm4b:s1+s3], $0x80, v5, vm0, $0xb8;
	[tilespmem:$0x14400] =	vst v63  }
0x117: {  	s10 =	simm.s32 $0xEC00  }
0x118: {  	[tilespmem:s10], [sflag:$0x3] =	stream.indirect_vreg.gather [hbm4b:s5+s3], $0x80, v5, vm0, $0xb8;
	[tilespmem:$0x14400] =	vst v63  }
0x119: {  	_ =	swait.ge [sflag:s30], $0x5000  }
0x11a: {  	[sflag:s30] =	ssyncset.done $0x0  }
0x11b: {  	s8 =	rddreg [dreg:$0x8];
	[sflag:s30] =	ssyncadd.s32 $0xFFFFB000  }
0x11c: {  	[hbm4b:s8+s3] =	stream.linear.scatter [tilespmem:s18], [sflag:$0x5], $0x5000, $0x38;
	[tilespmem:$0x14400] =	vst v63  }
0x11d: {  	_ =	swait.ge [sflag:s9], $0x5000  }
0x11e: {  	[sflag:s9] =	ssyncset.done $0x0  }
0x11f: {  	[sflag:s9] =	ssyncadd.s32 $0xFFFFB000  }
0x120: {  	v5 =	vld [tilespmem:$0x380];
	_ =	sdelay $0x4  }
0x121: {  	v6 =	vshll.u32 v5, $0x3  }
0x122: {  	v5 =	vand.u32 $0x7, v5;
	v6 =	vand.u32 $0xFFFFFFC0, v6  }
0x123: {  	v5 =	vor.u32 v5, v6  }
0x124: {  	v6 =	vperm.xlane v5, v0;
	_ =	sdelay $0x1  }
0x125: {  	v6 =	vadd.s32 v1, v6;
	_ =	sdelay $0x1  }
0x126: {  	v7 =	vperm.xlane v5, v2;
	_ =	sdelay $0x1  }
0x127: {  	v7 =	vadd.s32 v1, v7  }
0x128: {  	[tilespmem:s31], [sflag:$0x4] =	stream.indirect_vreg.gather [hbm4b:s1+s3], $0x80, v6, vm0, $0xb8;
	[tilespmem:$0x14400] =	vst v63  }
0x129: {  	s10 =	simm.s32 $0xFC00;
	v63 =	vperm.xlane v5, v3  }
0x12a: {  	[tilespmem:s10], [sflag:$0x4] =	stream.indirect_vreg.gather [hbm4b:s5+s3], $0x80, v6, vm0, $0xb8;
	[tilespmem:$0x14400] =	vst v63  }
0x12b: {  	v6 =	vadd.s32 v1, v63;
	s10 =	simm.s32 $0x10400  }
0x12c: {  	[tilespmem:s10], [sflag:$0x4] =	stream.indirect_vreg.gather [hbm4b:s1+s3], $0x80, v7, vm0, $0xb8;
	[tilespmem:$0x14400] =	vst v63  }
0x12d: {  	v5 =	vperm.xlane v5, v4;
	s10 =	simm.s32 $0x10C00  }
0x12e: {  	[tilespmem:s10], [sflag:$0x4] =	stream.indirect_vreg.gather [hbm4b:s5+s3], $0x80, v7, vm0, $0xb8;
	[tilespmem:$0x14400] =	vst v63  }
0x12f: {  	v5 =	vadd.s32 v1, v5;
	s10 =	simm.s32 $0x11400  }
0x130: {  	[tilespmem:s10], [sflag:$0x4] =	stream.indirect_vreg.gather [hbm4b:s1+s3], $0x80, v6, vm0, $0xb8;
	[tilespmem:$0x14400] =	vst v63  }
0x131: {  	s10 =	simm.s32 $0x11C00  }
0x132: {  	[tilespmem:s10], [sflag:$0x4] =	stream.indirect_vreg.gather [hbm4b:s5+s3], $0x80, v6, vm0, $0xb8;
	[tilespmem:$0x14400] =	vst v63  }
0x133: {  	s10 =	simm.s32 $0x12400  }
0x134: {  	[tilespmem:s10], [sflag:$0x4] =	stream.indirect_vreg.gather [hbm4b:s1+s3], $0x80, v5, vm0, $0xb8;
	[tilespmem:$0x14400] =	vst v63  }
0x135: {  	s10 =	simm.s32 $0x12C00  }
0x136: {  	[tilespmem:s10], [sflag:$0x4] =	stream.indirect_vreg.gather [hbm4b:s5+s3], $0x80, v5, vm0, $0xb8;
	[tilespmem:$0x14400] =	vst v63  }
0x137: {  	v5 =	vld.msk [tilespmem:$0x390], $0xf;
	_ =	sdelay $0x4  }
0x138: {  	v6 =	vshll.u32 v5, $0x3  }
0x139: {  	v5 =	vand.u32 $0x7, v5;
	v6 =	vand.u32 $0xFFFFFFC0, v6  }
0x13a: {  	v5 =	vor.u32 v5, v6  }
0x13b: {  	v5 =	vperm.xlane v5, v0;
	_ =	sdelay $0x1  }
0x13c: {  	v5 =	vadd.s32 v1, v5;
	_ =	sdelay $0x3  }
0x13d: {  	s10 =	simm.s32 $0x13400  }
0x13e: {  	[tilespmem:s10], [sflag:$0x4] =	stream.indirect_vreg.gather [hbm4b:s1+s3], $0x80, v5, vm0, $0xb8;
	[tilespmem:$0x14400] =	vst v63  }
0x13f: {  	s10 =	simm.s32 $0x13C00  }
0x140: {  	[tilespmem:s10], [sflag:$0x4] =	stream.indirect_vreg.gather [hbm4b:s5+s3], $0x80, v5, vm0, $0xb8;
	[tilespmem:$0x14400] =	vst v63  }
0x141: {  	_ =	swait.ge [sflag:s2], $0x5000  }
0x142: {  	[sflag:s2] =	ssyncset.done $0x0  }
0x143: {  	s8 =	rddreg [dreg:$0x9];
	[sflag:s2] =	ssyncadd.s32 $0xFFFFB000  }
0x144: {  	[hbm4b:s8+s3] =	stream.linear.scatter [tilespmem:s29], [sflag:$0x6], $0x5000, $0x38;
	[tilespmem:$0x14400] =	vst v63  }
0x145: {  	_ =	swait.ge [sflag:s11], $0x5000  }
0x146: {  	[sflag:s11] =	ssyncset.done $0x0  }
0x147: {  	s8 =	rddreg [dreg:$0xa];
	[sflag:s11] =	ssyncadd.s32 $0xFFFFB000  }
0x148: {  	[hbm4b:s8+s3] =	stream.linear.scatter [tilespmem:s28], [sflag:$0x7], $0x5000, $0x38;
	[tilespmem:$0x14400] =	vst v63  }
0x149: {  	_ =	swait.ge [sflag:s4], $0x5000  }
0x14a: {  	[sflag:s4] =	ssyncset.done $0x0  }
0x14b: {  	s11 =	rddreg [dreg:$0xb];
	[sflag:s4] =	ssyncadd.s32 $0xFFFFB000  }
0x14c: {  	[hbm4b:s11+s3] =	stream.linear.scatter [tilespmem:s31], [sflag:$0x8], $0x5000, $0x38;
	[tilespmem:$0x14400] =	vst v63  }
0x14d: {  	_ =	swait.ge [sflag:s0], $0x5000  }
0x14e: {  	[sflag:s0] =	ssyncset.done $0x0  }
0x14f: {  	[sflag:s0] =	ssyncadd.s32 $0xFFFFB000  }
0x150: {  	_ =	swait.ge [sflag:s12], $0x5000  }
0x151: {  	[sflag:s12] =	ssyncset.done $0x0  }
0x152: {  	[sflag:s12] =	ssyncadd.s32 $0xFFFFB000  }
0x153: {  	p0 =	sne.s32 s6, $0x1;
	_ =	swait.ge [sflag:s7], $0x5000  }
.Ltmp0:
0x154: {  	[sflag:s7] =	ssyncset.done $0x0;
	(pc) =	sbr.rel @p0 .LBB2_1-.Ltmp0, $4  }
0x155: {  	[sflag:s7] =	ssyncadd.s32 $0xFFFFB000  }
0x156: {  	_ =	swait.ge [sflag:s9], $0x5000  }
0x157: {  	[sflag:s9] =	ssyncset.done $0x0  }
0x158: {  	s6 =	sadd.s32 $0xFFFFFFFF, s6;
	[sflag:s9] =	ssyncadd.s32 $0xFFFFB000  }
0x159: {  	_ =	sfence.sel $0x180000  }
0x15a: {  	[bflag:$0x0] =	sbarrier.arrive $0xFFFF  }
0x15b: {  	_ =	strace $0x90000047  }
0x15c: {  	s0 =	stileid.u32;
	[bflag:$0x2] =	sbarrier.arrive $0xFFFF  }
0x15d: {  	p0 =	sne.s32 s0, $0x0;
	s0 =	rddreg [dreg:$0x3]  }
0x15e: {  	s0 =	sadd.s32 @!p0 $0x100000, s0  }
0x15f: {  	[sflag:s0] =	ssyncadd.tile.s32 @!p0 $0x1;
	_ =	shalt  }
.Lfunc_end2:
_tile_overlayer_lowered:
.L_overlay_start_2:
0x160: {  	(tag) =	ssettag $0x2  }
0x161: {  	s0 =	rddreg [dreg:$0x0];
	s2 =	stileid.u32  }
0x162: {  	s1 =	rddreg [dreg:$0x1];
	p0 =	sne.s32 s2, $0x0  }
0x163: {  	s3 =	rddreg [dreg:$0x2];
	[bflag:$0x3] =	sbarrier.arrive $0xFFFF;
	s2 =	simm.s32 @!p0 $0x1C09  }
0x164: {  	[timem:s3], [sflag:s2] =	dma.local @!p0 [hbm:s0], s1  }
0x165: {  	s0 =	simm.s32 @!p0 $0x9  }
0x166: {  	_ =	swait.ge @!p0 [sflag:s0], s1  }
0x167: {  	s1 =	ssub.s32 @!p0 $0x0, s1;
	[sflag:s0] =	ssyncset.done @!p0 $0x0  }
0x168: {  	[sflag:s0] =	ssyncadd.s32 @!p0 s1  }
0x169: {  	[bflag:$0x3] =	sbarrier.arrive $0xFFFF  }
0x16a: {  	_ =	shalt  }

</sc_bundles>
